<compile_context>
chip_gen: v7x
topology: tpu7x:2x2x1
jax: 0.10.2.dev20260603
libtpu: 0.0.44.dev20260713+nightly
codegen_flags: <defaults>
</compile_context>

<pallas_src>
import functools

import jax
import jax.numpy as jnp
from jax import lax
from jax.experimental import pallas as pl
from jax.experimental.pallas import tpu as pltpu
from jax.experimental.pallas import tpu_sc as plsc


def _matmuls_body(x_ref, w0_ref, w1_ref, ws_ref, b_ref,
                  h0_ref, h1_ref, s_ref):
    x = x_ref[...]
    h0_ref[...] = jnp.dot(x, w0_ref[...], preferred_element_type=jnp.float32)
    h1_ref[...] = jnp.dot(x, w1_ref[...], preferred_element_type=jnp.float32)
    s_ref[...] = (jnp.dot(x, ws_ref[...], preferred_element_type=jnp.float32)
                  + b_ref[...])


def _finalize_body(s_ref, a0_ref, a1_ref, d0_ref, d1_ref, o_ref):
    r0 = 1.0 / jnp.maximum(d0_ref[...][:, 0:1], 1.0)
    r1 = 1.0 / jnp.maximum(d1_ref[...][:, 0:1], 1.0)
    acc = a0_ref[...] * r0 + a1_ref[...] * r1 + s_ref[...]
    o_ref[...] = jnp.maximum(acc, 0.0)


def _make_sc_kernel(NP, D, DG, E_T, NCH, CH, R_T):
    mesh = plsc.VectorSubcoreMesh(core_axis_name="c", subcore_axis_name="s")

    @functools.partial(
        pl.kernel,
        out_type=(
            jax.ShapeDtypeStruct((NP, D), jnp.float32),
            jax.ShapeDtypeStruct((NP, D), jnp.float32),
            jax.ShapeDtypeStruct((NP, DG), jnp.float32),
            jax.ShapeDtypeStruct((NP, DG), jnp.float32),
        ),
        mesh=mesh,
        compiler_params=pltpu.CompilerParams(use_tc_tiling_on_sc=False),
        scratch_types=[
            pltpu.VMEM((NCH * CH,), jnp.int32),
            pltpu.VMEM((CH,), jnp.int32),
            pltpu.VMEM((CH,), jnp.int32),
            pltpu.VMEM((CH, D), jnp.float32),
            pltpu.VMEM((CH, D), jnp.float32),
            pltpu.VMEM((CH, DG), jnp.float32),
            pltpu.VMEM_SHARED((NP, D), jnp.float32),
            pltpu.VMEM_SHARED((NP, DG), jnp.float32),
            pltpu.SemaphoreType.DMA,
            pltpu.SemaphoreType.DMA,
            pltpu.SemaphoreType.DMA,
            pltpu.SemaphoreType.DMA,
            pltpu.SemaphoreType.DMA,
            pltpu.SemaphoreType.DMA,
        ],
    )
    def sc_kernel(h0, h1, s0, d0, s1, d1, zrows, ones, out0, out1,
                  deg0, deg1,
                  src_v, dst_a, dst_b, rows_a, rows_b, ones_v,
                  agg_sh, deg_sh,
                  gsem_a, gsem_b, dsem_a, dsem_b, esem_a, esem_b):
        c = lax.axis_index("c")
        s = lax.axis_index("s")

        def process(h_hbm, src_hbm, dst_hbm, out_hbm, deg_hbm):
            rbase = s * R_T
            ebase = s * E_T
            pltpu.async_copy(src_hbm.at[pl.ds(ebase, E_T)], src_v, gsem_a)
            pltpu.async_copy(ones, ones_v, gsem_b)
            pltpu.sync_copy(zrows.at[pl.ds(rbase, R_T)],
                            agg_sh.at[pl.ds(rbase, R_T)])
            pltpu.sync_copy(zrows.at[pl.ds(rbase, R_T), pl.ds(0, DG)],
                            deg_sh.at[pl.ds(rbase, R_T)])
            pltpu.make_async_copy(src_hbm.at[pl.ds(ebase, E_T)], src_v,
                                  gsem_a).wait()
            pltpu.make_async_copy(ones, ones_v, gsem_b).wait()
            plsc.subcore_barrier()

            def gather_start(j, rows_v, sem):
                pltpu.async_copy(h_hbm.at[src_v.at[pl.ds(j * CH, CH)]],
                                 rows_v, sem)

            def gather_wait(rows_v, sem):
                pltpu.make_async_copy(h_hbm.at[src_v.at[pl.ds(0, CH)]],
                                      rows_v, sem).wait()

            def dst_start(j, dst_v, sem):
                pltpu.async_copy(dst_hbm.at[pl.ds(ebase + j * CH, CH)],
                                 dst_v, sem)

            def dst_wait(dst_v, sem):
                pltpu.make_async_copy(dst_hbm.at[pl.ds(ebase, CH)], dst_v,
                                      sem).wait()

            def deg_start(dst_v, sem):
                pltpu.async_copy(ones_v, deg_sh.at[dst_v], sem, add=True)

            def deg_wait(dst_v, sem):
                pltpu.make_async_copy(ones_v, deg_sh.at[dst_v], sem).wait()

            def scatter(rows_v, dst_v):
                pltpu.sync_copy(rows_v, agg_sh.at[dst_v], add=True)

            gather_start(0, rows_a, gsem_a)
            dst_start(0, dst_a, dsem_a)

            def pair(g, carry):
                j = 2 * g

                @pl.when(j + 1 < NCH)
                def _():
                    gather_start(j + 1, rows_b, gsem_b)
                    dst_start(j + 1, dst_b, dsem_b)

                gather_wait(rows_a, gsem_a)
                dst_wait(dst_a, dsem_a)
                deg_start(dst_a, esem_a)
                scatter(rows_a, dst_a)

                @pl.when(j + 2 < NCH)
                def _():
                    deg_wait(dst_a, esem_a)
                    gather_start(j + 2, rows_a, gsem_a)
                    dst_start(j + 2, dst_a, dsem_a)

                @pl.when(j + 1 < NCH)
                def _():
                    gather_wait(rows_b, gsem_b)
                    dst_wait(dst_b, dsem_b)
                    deg_start(dst_b, esem_b)
                    scatter(rows_b, dst_b)

                @pl.when(j + 3 < NCH)
                def _():
                    deg_wait(dst_b, esem_b)

                return carry

            lax.fori_loop(0, (NCH + 1) // 2, pair, 0)
            deg_wait(dst_a, esem_a)

            @pl.when(NCH > 1)
            def _():
                deg_wait(dst_b, esem_b)

            plsc.subcore_barrier()
            pltpu.sync_copy(agg_sh.at[pl.ds(rbase, R_T)],
                            out_hbm.at[pl.ds(rbase, R_T)])
            pltpu.sync_copy(deg_sh.at[pl.ds(rbase, R_T)],
                            deg_hbm.at[pl.ds(rbase, R_T)])

        @pl.when(c == 0)
        def _():
            process(h0, s0, d0, out0, deg0)

        @pl.when(c == 1)
        def _():
            process(h1, s1, d1, out1, deg1)

    return sc_kernel


def kernel(node_features, src_rel0, dst_rel0, src_rel1, dst_rel1,
           W_rel0, W_rel1, W_self, b_self):
    N, D = node_features.shape
    D_OUT = W_rel0.shape[1]
    E = src_rel0.shape[0]
    DG = 16
    BM = 2000
    NB = N // BM
    NT = 16
    E_T = E // NT
    CH = 80
    NCH = E_T // CH
    NP = 10240
    R_T = NP // NT

    b2 = b_self.reshape(1, D_OUT)
    H0, H1, S = pl.pallas_call(
        _matmuls_body,
        grid=(NB,),
        in_specs=[
            pl.BlockSpec((BM, D), lambda i: (i, 0)),
            pl.BlockSpec((D, D_OUT), lambda i: (0, 0)),
            pl.BlockSpec((D, D_OUT), lambda i: (0, 0)),
            pl.BlockSpec((D, D_OUT), lambda i: (0, 0)),
            pl.BlockSpec((1, D_OUT), lambda i: (0, 0)),
        ],
        out_specs=[
            pl.BlockSpec((BM, D_OUT), lambda i: (i, 0)),
            pl.BlockSpec((BM, D_OUT), lambda i: (i, 0)),
            pl.BlockSpec((BM, D_OUT), lambda i: (i, 0)),
        ],
        out_shape=[
            jax.ShapeDtypeStruct((N, D_OUT), jnp.float32),
            jax.ShapeDtypeStruct((N, D_OUT), jnp.float32),
            jax.ShapeDtypeStruct((N, D_OUT), jnp.float32),
        ],
    )(node_features, W_rel0, W_rel1, W_self, b2)

    zrows = jnp.zeros((NP, D_OUT), jnp.float32)
    ones = jnp.ones((CH, DG), jnp.float32)
    sc_fn = _make_sc_kernel(NP, D_OUT, DG, E_T, NCH, CH, R_T)
    agg0, agg1, deg0, deg1 = sc_fn(H0, H1, src_rel0, dst_rel0,
                                   src_rel1, dst_rel1, zrows, ones)

    out = pl.pallas_call(
        _finalize_body,
        grid=(NB,),
        in_specs=[
            pl.BlockSpec((BM, D_OUT), lambda i: (i, 0)),
            pl.BlockSpec((BM, D_OUT), lambda i: (i, 0)),
            pl.BlockSpec((BM, D_OUT), lambda i: (i, 0)),
            pl.BlockSpec((BM, DG), lambda i: (i, 0)),
            pl.BlockSpec((BM, DG), lambda i: (i, 0)),
        ],
        out_specs=pl.BlockSpec((BM, D_OUT), lambda i: (i, 0)),
        out_shape=jax.ShapeDtypeStruct((N, D_OUT), jnp.float32),
    )(S, agg0, agg1, deg0, deg1)
    return out

# --- scband reference (transcript-rebuilt; emitter-appended) ---
"""Pipeline reference for scband-multi-relational-gcnlayer-83330955477834 (READ-ONLY COPY).

The authoritative reference and input builder live on the scoring server;
editing this copy changes nothing except your own understanding.
"""

import jax, jax.numpy as jnp
import numpy as np


def setup_inputs(seed: int = 0) -> dict:
    key = jax.random.key(seed)
    ks = jax.random.split(key, 9)
    N, E, D_IN, D_OUT = 10000, 160000, 128, 128
    node_features = jax.random.normal(ks[0], (N, D_IN), dtype=jnp.float32)
    src_rel0 = jax.random.randint(ks[1], (E,), 0, N, dtype=jnp.int32)
    dst_rel0 = jax.random.randint(ks[2], (E,), 0, N, dtype=jnp.int32)
    src_rel1 = jax.random.randint(ks[3], (E,), 0, N, dtype=jnp.int32)
    dst_rel1 = jax.random.randint(ks[4], (E,), 0, N, dtype=jnp.int32)
    scale = 1.0 / np.sqrt(D_IN)
    W_rel0 = jax.random.normal(ks[5], (D_IN, D_OUT), dtype=jnp.float32) * scale
    W_rel1 = jax.random.normal(ks[6], (D_IN, D_OUT), dtype=jnp.float32) * scale
    W_self = jax.random.normal(ks[7], (D_IN, D_OUT), dtype=jnp.float32) * scale
    b_self = jnp.zeros((D_OUT,), dtype=jnp.float32)
    return {
        "node_features": node_features,
        "src_rel0": src_rel0, "dst_rel0": dst_rel0,
        "src_rel1": src_rel1, "dst_rel1": dst_rel1,
        "W_rel0": W_rel0, "W_rel1": W_rel1,
        "W_self": W_self, "b_self": b_self,
    }


def reference(node_features, src_rel0, dst_rel0, src_rel1, dst_rel1, W_rel0, W_rel1, W_self, b_self):
    N = node_features.shape[0]
    D_OUT = W_rel0.shape[1]
    out = jnp.zeros((N, D_OUT), dtype=node_features.dtype)
    for (src_idx, dst_idx, W) in ((src_rel0, dst_rel0, W_rel0), (src_rel1, dst_rel1, W_rel1)):
        # per-relation linear transform (torch Linear without bias)
        h = node_features @ W
        # gather source-node messages
        h_src = jnp.take(h, src_idx, axis=0)
        # scatter-add aggregation into destination nodes
        agg = jnp.zeros((N, D_OUT), dtype=h.dtype).at[dst_idx].add(h_src)
        # mean-normalize by in-degree (clamped at 1)
        deg = jnp.maximum(jnp.bincount(dst_idx, length=N), 1).astype(h.dtype)[:, None]
        agg = agg / deg
        out = out + agg
    # self-loop linear (with bias)
    out = out + node_features @ W_self + b_self
    out = jax.nn.relu(out)
    # dropout is identity at inference (eval mode)
    return out

if __name__ == "__main__":
    import jax
    _d = setup_inputs()
    print(jax.jit(kernel)(*tuple(_d.values())))

</pallas_src>

<mosaic_0001>
#map = affine_map<(d0, d1) -> (0, 0)>
#map1 = affine_map<(d0, d1) -> (0)>
module attributes {stable_mosaic.version = 14 : i64} {
  func.func @sc_kernel(%arg0: i32, %arg1: i32, %arg2: memref<10000x128xf32, #tpu.memory_space<hbm>>, %arg3: memref<10000x128xf32, #tpu.memory_space<hbm>>, %arg4: memref<160000xi32, #tpu.memory_space<hbm>>, %arg5: memref<160000xi32, #tpu.memory_space<hbm>>, %arg6: memref<160000xi32, #tpu.memory_space<hbm>>, %arg7: memref<160000xi32, #tpu.memory_space<hbm>>, %arg8: memref<10240x128xf32, #tpu.memory_space<hbm>>, %arg9: memref<80x16xf32, #tpu.memory_space<hbm>>, %arg10: memref<10240x128xf32, #tpu.memory_space<hbm>>, %arg11: memref<10240x128xf32, #tpu.memory_space<hbm>>, %arg12: memref<10240x16xf32, #tpu.memory_space<hbm>>, %arg13: memref<10240x16xf32, #tpu.memory_space<hbm>>, %arg14: memref<10000xi32, #tpu.memory_space<vmem>>, %arg15: memref<80xi32, #tpu.memory_space<vmem>>, %arg16: memref<80xi32, #tpu.memory_space<vmem>>, %arg17: memref<80x128xf32, #tpu.memory_space<vmem>>, %arg18: memref<80x128xf32, #tpu.memory_space<vmem>>, %arg19: memref<80x16xf32, #tpu.memory_space<vmem>>, %arg20: memref<10240x128xf32, #tpu.memory_space<vmem_shared>>, %arg21: memref<10240x16xf32, #tpu.memory_space<vmem_shared>>, %arg22: memref<!tpu.dma_semaphore, #tpu.memory_space<semaphore_mem>>, %arg23: memref<!tpu.dma_semaphore, #tpu.memory_space<semaphore_mem>>, %arg24: memref<!tpu.dma_semaphore, #tpu.memory_space<semaphore_mem>>, %arg25: memref<!tpu.dma_semaphore, #tpu.memory_space<semaphore_mem>>, %arg26: memref<!tpu.dma_semaphore, #tpu.memory_space<semaphore_mem>>, %arg27: memref<!tpu.dma_semaphore, #tpu.memory_space<semaphore_mem>>) attributes {dimension_semantics = [#tpu.dimension_semantics<core_parallel>, #tpu.dimension_semantics<subcore_parallel>], iteration_bounds = array<i64: 2, 16>, scalar_prefetch = 0 : i64, scratch_operands = 14 : i64, tpu.core_type = #tpu.core_type<sc_vector_subcore>, window_params = [{transform_indices = #map}, {transform_indices = #map}, {transform_indices = #map1}, {transform_indices = #map1}, {transform_indices = #map1}, {transform_indices = #map1}, {transform_indices = #map}, {transform_indices = #map}, {transform_indices = #map}, {transform_indices = #map}, {transform_indices = #map}, {transform_indices = #map}]} {
    %eq3A = arith.constant 0 : i32
    %eq3A_0 = arith.cmpi eq, %arg0, %eq3A : i32
    %convert_element_type3A = arith.extui %eq3A_0 : i1 to i32
    %cond3A = arith.constant 0 : i32
    %cond3A_1 = arith.cmpi ne, %convert_element_type3A, %cond3A : i32
    scf.if %cond3A_1 {
      %mul3A = arith.constant 640 : i32
      %mul3A_7 = arith.muli %arg1, %mul3A : i32
      %mul3A_8 = arith.constant 10000 : i32
      %mul3A_9 = arith.muli %arg1, %mul3A_8 : i32
      %dma_start3A = tpu.memref_slice %arg4[%mul3A_9] : memref<160000xi32, #tpu.memory_space<hbm>> -> memref<10000xi32, #tpu.memory_space<hbm>>
      %dma_start3A_10 = tpu.memref_slice %arg4[%mul3A_9] : memref<160000xi32, #tpu.memory_space<hbm>> -> memref<10000xi32, #tpu.memory_space<hbm>>
      tpu.enqueue_dma source(%dma_start3A_10 : memref<10000xi32, #tpu.memory_space<hbm>>) target(%arg14 : memref<10000xi32, #tpu.memory_space<vmem>>) target_semaphore(%arg22 : memref<!tpu.dma_semaphore, #tpu.memory_space<semaphore_mem>>)
      tpu.enqueue_dma source(%arg9 : memref<80x16xf32, #tpu.memory_space<hbm>>) target(%arg19 : memref<80x16xf32, #tpu.memory_space<vmem>>) target_semaphore(%arg23 : memref<!tpu.dma_semaphore, #tpu.memory_space<semaphore_mem>>)
      "tpu.region"() ({
        %run_scoped3A = tpu.sem_alloc : memref<!tpu.dma_semaphore, #tpu.memory_space<semaphore_mem>>
        %dma_start3A_32 = arith.constant 0 : i32
        %dma_start3A_33 = tpu.memref_slice %arg20[%mul3A_7, %dma_start3A_32] : memref<10240x128xf32, #tpu.memory_space<vmem_shared>> -> memref<640x128xf32, #tpu.memory_space<vmem_shared>>
        %dma_start3A_34 = arith.constant 0 : i32
        %dma_start3A_35 = tpu.memref_slice %arg8[%mul3A_7, %dma_start3A_34] : memref<10240x128xf32, #tpu.memory_space<hbm>> -> memref<640x128xf32, #tpu.memory_space<hbm>>
        tpu.enqueue_dma source(%dma_start3A_35 : memref<640x128xf32, #tpu.memory_space<hbm>>) target(%dma_start3A_33 : memref<640x128xf32, #tpu.memory_space<vmem_shared>>) target_semaphore(%run_scoped3A : memref<!tpu.dma_semaphore, #tpu.memory_space<semaphore_mem>>)
        %dma_wait3A_36 = arith.constant 0 : i32
        %dma_wait3A_37 = tpu.memref_slice %arg20[%mul3A_7, %dma_wait3A_36] : memref<10240x128xf32, #tpu.memory_space<vmem_shared>> -> memref<640x128xf32, #tpu.memory_space<vmem_shared>>
        %dma_wait3A_38 = arith.constant 0 : i32
        %dma_wait3A_39 = tpu.memref_slice %arg8[%mul3A_7, %dma_wait3A_38] : memref<10240x128xf32, #tpu.memory_space<hbm>> -> memref<640x128xf32, #tpu.memory_space<hbm>>
        tpu.wait_dma2 semaphore(%run_scoped3A : memref<!tpu.dma_semaphore, #tpu.memory_space<semaphore_mem>>) src(%dma_wait3A_39 : memref<640x128xf32, #tpu.memory_space<hbm>>) dst(%dma_wait3A_37 : memref<640x128xf32, #tpu.memory_space<vmem_shared>>)
        tpu.yield
      }) : () -> ()
      "tpu.region"() ({
        %run_scoped3A = tpu.sem_alloc : memref<!tpu.dma_semaphore, #tpu.memory_space<semaphore_mem>>
        %dma_start3A_32 = arith.constant 0 : i32
        %dma_start3A_33 = tpu.memref_slice %arg21[%mul3A_7, %dma_start3A_32] : memref<10240x16xf32, #tpu.memory_space<vmem_shared>> -> memref<640x16xf32, #tpu.memory_space<vmem_shared>>
        %dma_start3A_34 = arith.constant 0 : i32
        %dma_start3A_35 = tpu.memref_slice %arg8[%mul3A_7, %dma_start3A_34] : memref<10240x128xf32, #tpu.memory_space<hbm>> -> memref<640x16xf32, #tpu.memory_space<hbm>>
        tpu.enqueue_dma source(%dma_start3A_35 : memref<640x16xf32, #tpu.memory_space<hbm>>) target(%dma_start3A_33 : memref<640x16xf32, #tpu.memory_space<vmem_shared>>) target_semaphore(%run_scoped3A : memref<!tpu.dma_semaphore, #tpu.memory_space<semaphore_mem>>)
        %dma_wait3A_36 = arith.constant 0 : i32
        %dma_wait3A_37 = tpu.memref_slice %arg21[%mul3A_7, %dma_wait3A_36] : memref<10240x16xf32, #tpu.memory_space<vmem_shared>> -> memref<640x16xf32, #tpu.memory_space<vmem_shared>>
        %dma_wait3A_38 = arith.constant 0 : i32
        %dma_wait3A_39 = tpu.memref_slice %arg8[%mul3A_7, %dma_wait3A_38] : memref<10240x128xf32, #tpu.memory_space<hbm>> -> memref<640x16xf32, #tpu.memory_space<hbm>>
        tpu.wait_dma2 semaphore(%run_scoped3A : memref<!tpu.dma_semaphore, #tpu.memory_space<semaphore_mem>>) src(%dma_wait3A_39 : memref<640x16xf32, #tpu.memory_space<hbm>>) dst(%dma_wait3A_37 : memref<640x16xf32, #tpu.memory_space<vmem_shared>>)
        tpu.yield
      }) : () -> ()
      %dma_wait3A = tpu.memref_slice %arg4[%mul3A_9] : memref<160000xi32, #tpu.memory_space<hbm>> -> memref<10000xi32, #tpu.memory_space<hbm>>
      %dma_wait3A_11 = tpu.memref_slice %arg4[%mul3A_9] : memref<160000xi32, #tpu.memory_space<hbm>> -> memref<10000xi32, #tpu.memory_space<hbm>>
      tpu.wait_dma2 semaphore(%arg22 : memref<!tpu.dma_semaphore, #tpu.memory_space<semaphore_mem>>) src(%dma_wait3A_11 : memref<10000xi32, #tpu.memory_space<hbm>>) dst(%arg14 : memref<10000xi32, #tpu.memory_space<vmem>>)
      tpu.wait_dma2 semaphore(%arg23 : memref<!tpu.dma_semaphore, #tpu.memory_space<semaphore_mem>>) src(%arg9 : memref<80x16xf32, #tpu.memory_space<hbm>>) dst(%arg19 : memref<80x16xf32, #tpu.memory_space<vmem>>)
      %barrier3A = arith.constant 0 : index
      tpu.barrier barrier_id(%barrier3A)
      %dma_start3A_12 = arith.constant 0 : i32
      %dma_start3A_13 = tpu.memref_slice %arg14[%dma_start3A_12] : memref<10000xi32, #tpu.memory_space<vmem>> -> memref<80xi32, #tpu.memory_space<vmem>>
      %dma_start3A_14 = arith.constant 0 : i32
      %dma_start3A_15 = arith.constant 0 : i32
      %dma_start3A_16 = tpu.memref_slice %arg2[%dma_start3A_14, %dma_start3A_15] : memref<10000x128xf32, #tpu.memory_space<hbm>> -> memref<10000x128xf32, #tpu.memory_space<hbm>>
      tpu.enqueue_indirect_dma source(%dma_start3A_16 : memref<10000x128xf32, #tpu.memory_space<hbm>>) target(%arg17 : memref<80x128xf32, #tpu.memory_space<vmem>>) offsets(%dma_start3A_13 : memref<80xi32, #tpu.memory_space<vmem>>) semaphore(%arg22 : memref<!tpu.dma_semaphore, #tpu.memory_space<semaphore_mem>>)
      %add3A = arith.constant 0 : i32
      %add3A_17 = arith.addi %mul3A_9, %add3A : i32
      %dma_start3A_18 = tpu.memref_slice %arg5[%add3A_17] : memref<160000xi32, #tpu.memory_space<hbm>> -> memref<80xi32, #tpu.memory_space<hbm>>
      %dma_start3A_19 = tpu.memref_slice %arg5[%add3A_17] : memref<160000xi32, #tpu.memory_space<hbm>> -> memref<80xi32, #tpu.memory_space<hbm>>
      tpu.enqueue_dma source(%dma_start3A_19 : memref<80xi32, #tpu.memory_space<hbm>>) target(%arg15 : memref<80xi32, #tpu.memory_space<vmem>>) target_semaphore(%arg24 : memref<!tpu.dma_semaphore, #tpu.memory_space<semaphore_mem>>)
      %scan3A = arith.constant 0 : i32
      %scan3A_20 = arith.constant 0 : i32
      %scan3A_21 = arith.constant 63 : i32
      %scan3A_22 = arith.addi %scan3A_20, %scan3A_21 : i32
      %scan3A_23 = arith.constant 1 : i32
      scf.for %scan3A_32 = %scan3A_20 to %scan3A_22 step %scan3A_23  : i32 {
        %mul3A_33 = arith.constant 2 : i32
        %mul3A_34 = arith.muli %mul3A_33, %scan3A_32 : i32
        %add3A_35 = arith.constant 1 : i32
        %add3A_36 = arith.addi %mul3A_34, %add3A_35 : i32
        %lt3A = arith.constant 125 : i32
        %lt3A_37 = arith.cmpi slt, %add3A_36, %lt3A : i32
        %convert_element_type3A_38 = arith.extui %lt3A_37 : i1 to i32
        %cond3A_39 = arith.constant 0 : i32
        %cond3A_40 = arith.cmpi ne, %convert_element_type3A_38, %cond3A_39 : i32
        scf.if %cond3A_40 {
          %add3A_72 = arith.constant 1 : i32
          %add3A_73 = arith.addi %mul3A_34, %add3A_72 : i32
          %mul3A_74 = arith.constant 80 : i32
          %mul3A_75 = arith.muli %add3A_73, %mul3A_74 : i32
          %dma_start3A_76 = tpu.memref_slice %arg14[%mul3A_75] : memref<10000xi32, #tpu.memory_space<vmem>> -> memref<80xi32, #tpu.memory_space<vmem>>
          %dma_start3A_77 = arith.constant 0 : i32
          %dma_start3A_78 = arith.constant 0 : i32
          %dma_start3A_79 = tpu.memref_slice %arg2[%dma_start3A_77, %dma_start3A_78] : memref<10000x128xf32, #tpu.memory_space<hbm>> -> memref<10000x128xf32, #tpu.memory_space<hbm>>
          tpu.enqueue_indirect_dma source(%dma_start3A_79 : memref<10000x128xf32, #tpu.memory_space<hbm>>) target(%arg18 : memref<80x128xf32, #tpu.memory_space<vmem>>) offsets(%dma_start3A_76 : memref<80xi32, #tpu.memory_space<vmem>>) semaphore(%arg23 : memref<!tpu.dma_semaphore, #tpu.memory_space<semaphore_mem>>)
          %add3A_80 = arith.constant 1 : i32
          %add3A_81 = arith.addi %mul3A_34, %add3A_80 : i32
          %mul3A_82 = arith.constant 80 : i32
          %mul3A_83 = arith.muli %add3A_81, %mul3A_82 : i32
          %add3A_84 = arith.addi %mul3A_9, %mul3A_83 : i32
          %dma_start3A_85 = tpu.memref_slice %arg5[%add3A_84] : memref<160000xi32, #tpu.memory_space<hbm>> -> memref<80xi32, #tpu.memory_space<hbm>>
          %dma_start3A_86 = tpu.memref_slice %arg5[%add3A_84] : memref<160000xi32, #tpu.memory_space<hbm>> -> memref<80xi32, #tpu.memory_space<hbm>>
          tpu.enqueue_dma source(%dma_start3A_86 : memref<80xi32, #tpu.memory_space<hbm>>) target(%arg16 : memref<80xi32, #tpu.memory_space<vmem>>) target_semaphore(%arg25 : memref<!tpu.dma_semaphore, #tpu.memory_space<semaphore_mem>>)
        } else {
        }
        %dma_wait3A_41 = arith.constant 0 : i32
        %dma_wait3A_42 = tpu.memref_slice %arg14[%dma_wait3A_41] : memref<10000xi32, #tpu.memory_space<vmem>> -> memref<80xi32, #tpu.memory_space<vmem>>
        %dma_wait3A_43 = arith.constant 0 : i32
        %dma_wait3A_44 = arith.constant 0 : i32
        %dma_wait3A_45 = tpu.memref_slice %arg2[%dma_wait3A_43, %dma_wait3A_44] : memref<10000x128xf32, #tpu.memory_space<hbm>> -> memref<10000x128xf32, #tpu.memory_space<hbm>>
        tpu.wait_indirect_dma semaphore(%arg22 : memref<!tpu.dma_semaphore, #tpu.memory_space<semaphore_mem>>) src(%dma_wait3A_45 : memref<10000x128xf32, #tpu.memory_space<hbm>>) dst(%arg17 : memref<80x128xf32, #tpu.memory_space<vmem>>)
        %dma_wait3A_46 = tpu.memref_slice %arg5[%mul3A_9] : memref<160000xi32, #tpu.memory_space<hbm>> -> memref<80xi32, #tpu.memory_space<hbm>>
        %dma_wait3A_47 = tpu.memref_slice %arg5[%mul3A_9] : memref<160000xi32, #tpu.memory_space<hbm>> -> memref<80xi32, #tpu.memory_space<hbm>>
        tpu.wait_dma2 semaphore(%arg24 : memref<!tpu.dma_semaphore, #tpu.memory_space<semaphore_mem>>) src(%dma_wait3A_47 : memref<80xi32, #tpu.memory_space<hbm>>) dst(%arg15 : memref<80xi32, #tpu.memory_space<vmem>>)
        %dma_start3A_48 = arith.constant 0 : i32
        %dma_start3A_49 = arith.constant 0 : i32
        %dma_start3A_50 = tpu.memref_slice %arg21[%dma_start3A_48, %dma_start3A_49] : memref<10240x16xf32, #tpu.memory_space<vmem_shared>> -> memref<10240x16xf32, #tpu.memory_space<vmem_shared>>
        tpu.enqueue_indirect_dma source(%arg19 : memref<80x16xf32, #tpu.memory_space<vmem>>) target(%dma_start3A_50 : memref<10240x16xf32, #tpu.memory_space<vmem_shared>>) offsets(%arg15 : memref<80xi32, #tpu.memory_space<vmem>>) semaphore(%arg26 : memref<!tpu.dma_semaphore, #tpu.memory_space<semaphore_mem>>) {add = true}
        "tpu.region"() ({
          %run_scoped3A = tpu.sem_alloc : memref<!tpu.dma_semaphore, #tpu.memory_space<semaphore_mem>>
          %dma_start3A_72 = arith.constant 0 : i32
          %dma_start3A_73 = arith.constant 0 : i32
          %dma_start3A_74 = tpu.memref_slice %arg20[%dma_start3A_72, %dma_start3A_73] : memref<10240x128xf32, #tpu.memory_space<vmem_shared>> -> memref<10240x128xf32, #tpu.memory_space<vmem_shared>>
          tpu.enqueue_indirect_dma source(%arg17 : memref<80x128xf32, #tpu.memory_space<vmem>>) target(%dma_start3A_74 : memref<10240x128xf32, #tpu.memory_space<vmem_shared>>) offsets(%arg15 : memref<80xi32, #tpu.memory_space<vmem>>) semaphore(%run_scoped3A : memref<!tpu.dma_semaphore, #tpu.memory_space<semaphore_mem>>) {add = true}
          %dma_wait3A_75 = arith.constant 0 : i32
          %dma_wait3A_76 = arith.constant 0 : i32
          %dma_wait3A_77 = tpu.memref_slice %arg20[%dma_wait3A_75, %dma_wait3A_76] : memref<10240x128xf32, #tpu.memory_space<vmem_shared>> -> memref<10240x128xf32, #tpu.memory_space<vmem_shared>>
          tpu.wait_indirect_dma semaphore(%run_scoped3A : memref<!tpu.dma_semaphore, #tpu.memory_space<semaphore_mem>>) src(%arg17 : memref<80x128xf32, #tpu.memory_space<vmem>>) dst(%dma_wait3A_77 : memref<10240x128xf32, #tpu.memory_space<vmem_shared>>)
          tpu.yield
        }) : () -> ()
        %add3A_51 = arith.constant 2 : i32
        %add3A_52 = arith.addi %mul3A_34, %add3A_51 : i32
        %lt3A_53 = arith.constant 125 : i32
        %lt3A_54 = arith.cmpi slt, %add3A_52, %lt3A_53 : i32
        %convert_element_type3A_55 = arith.extui %lt3A_54 : i1 to i32
        %cond3A_56 = arith.constant 0 : i32
        %cond3A_57 = arith.cmpi ne, %convert_element_type3A_55, %cond3A_56 : i32
        scf.if %cond3A_57 {
          %dma_wait3A_72 = arith.constant 0 : i32
          %dma_wait3A_73 = arith.constant 0 : i32
          %dma_wait3A_74 = tpu.memref_slice %arg21[%dma_wait3A_72, %dma_wait3A_73] : memref<10240x16xf32, #tpu.memory_space<vmem_shared>> -> memref<10240x16xf32, #tpu.memory_space<vmem_shared>>
          tpu.wait_indirect_dma semaphore(%arg26 : memref<!tpu.dma_semaphore, #tpu.memory_space<semaphore_mem>>) src(%arg19 : memref<80x16xf32, #tpu.memory_space<vmem>>) dst(%dma_wait3A_74 : memref<10240x16xf32, #tpu.memory_space<vmem_shared>>)
          %add3A_75 = arith.constant 2 : i32
          %add3A_76 = arith.addi %mul3A_34, %add3A_75 : i32
          %mul3A_77 = arith.constant 80 : i32
          %mul3A_78 = arith.muli %add3A_76, %mul3A_77 : i32
          %dma_start3A_79 = tpu.memref_slice %arg14[%mul3A_78] : memref<10000xi32, #tpu.memory_space<vmem>> -> memref<80xi32, #tpu.memory_space<vmem>>
          %dma_start3A_80 = arith.constant 0 : i32
          %dma_start3A_81 = arith.constant 0 : i32
          %dma_start3A_82 = tpu.memref_slice %arg2[%dma_start3A_80, %dma_start3A_81] : memref<10000x128xf32, #tpu.memory_space<hbm>> -> memref<10000x128xf32, #tpu.memory_space<hbm>>
          tpu.enqueue_indirect_dma source(%dma_start3A_82 : memref<10000x128xf32, #tpu.memory_space<hbm>>) target(%arg17 : memref<80x128xf32, #tpu.memory_space<vmem>>) offsets(%dma_start3A_79 : memref<80xi32, #tpu.memory_space<vmem>>) semaphore(%arg22 : memref<!tpu.dma_semaphore, #tpu.memory_space<semaphore_mem>>)
          %add3A_83 = arith.constant 2 : i32
          %add3A_84 = arith.addi %mul3A_34, %add3A_83 : i32
          %mul3A_85 = arith.constant 80 : i32
          %mul3A_86 = arith.muli %add3A_84, %mul3A_85 : i32
          %add3A_87 = arith.addi %mul3A_9, %mul3A_86 : i32
          %dma_start3A_88 = tpu.memref_slice %arg5[%add3A_87] : memref<160000xi32, #tpu.memory_space<hbm>> -> memref<80xi32, #tpu.memory_space<hbm>>
          %dma_start3A_89 = tpu.memref_slice %arg5[%add3A_87] : memref<160000xi32, #tpu.memory_space<hbm>> -> memref<80xi32, #tpu.memory_space<hbm>>
          tpu.enqueue_dma source(%dma_start3A_89 : memref<80xi32, #tpu.memory_space<hbm>>) target(%arg15 : memref<80xi32, #tpu.memory_space<vmem>>) target_semaphore(%arg24 : memref<!tpu.dma_semaphore, #tpu.memory_space<semaphore_mem>>)
        } else {
        }
        %add3A_58 = arith.constant 1 : i32
        %add3A_59 = arith.addi %mul3A_34, %add3A_58 : i32
        %lt3A_60 = arith.constant 125 : i32
        %lt3A_61 = arith.cmpi slt, %add3A_59, %lt3A_60 : i32
        %convert_element_type3A_62 = arith.extui %lt3A_61 : i1 to i32
        %cond3A_63 = arith.constant 0 : i32
        %cond3A_64 = arith.cmpi ne, %convert_element_type3A_62, %cond3A_63 : i32
        scf.if %cond3A_64 {
          %dma_wait3A_72 = arith.constant 0 : i32
          %dma_wait3A_73 = tpu.memref_slice %arg14[%dma_wait3A_72] : memref<10000xi32, #tpu.memory_space<vmem>> -> memref<80xi32, #tpu.memory_space<vmem>>
          %dma_wait3A_74 = arith.constant 0 : i32
          %dma_wait3A_75 = arith.constant 0 : i32
          %dma_wait3A_76 = tpu.memref_slice %arg2[%dma_wait3A_74, %dma_wait3A_75] : memref<10000x128xf32, #tpu.memory_space<hbm>> -> memref<10000x128xf32, #tpu.memory_space<hbm>>
          tpu.wait_indirect_dma semaphore(%arg23 : memref<!tpu.dma_semaphore, #tpu.memory_space<semaphore_mem>>) src(%dma_wait3A_76 : memref<10000x128xf32, #tpu.memory_space<hbm>>) dst(%arg18 : memref<80x128xf32, #tpu.memory_space<vmem>>)
          %dma_wait3A_77 = tpu.memref_slice %arg5[%mul3A_9] : memref<160000xi32, #tpu.memory_space<hbm>> -> memref<80xi32, #tpu.memory_space<hbm>>
          %dma_wait3A_78 = tpu.memref_slice %arg5[%mul3A_9] : memref<160000xi32, #tpu.memory_space<hbm>> -> memref<80xi32, #tpu.memory_space<hbm>>
          tpu.wait_dma2 semaphore(%arg25 : memref<!tpu.dma_semaphore, #tpu.memory_space<semaphore_mem>>) src(%dma_wait3A_78 : memref<80xi32, #tpu.memory_space<hbm>>) dst(%arg16 : memref<80xi32, #tpu.memory_space<vmem>>)
          %dma_start3A_79 = arith.constant 0 : i32
          %dma_start3A_80 = arith.constant 0 : i32
          %dma_start3A_81 = tpu.memref_slice %arg21[%dma_start3A_79, %dma_start3A_80] : memref<10240x16xf32, #tpu.memory_space<vmem_shared>> -> memref<10240x16xf32, #tpu.memory_space<vmem_shared>>
          tpu.enqueue_indirect_dma source(%arg19 : memref<80x16xf32, #tpu.memory_space<vmem>>) target(%dma_start3A_81 : memref<10240x16xf32, #tpu.memory_space<vmem_shared>>) offsets(%arg16 : memref<80xi32, #tpu.memory_space<vmem>>) semaphore(%arg27 : memref<!tpu.dma_semaphore, #tpu.memory_space<semaphore_mem>>) {add = true}
          "tpu.region"() ({
            %run_scoped3A = tpu.sem_alloc : memref<!tpu.dma_semaphore, #tpu.memory_space<semaphore_mem>>
            %dma_start3A_82 = arith.constant 0 : i32
            %dma_start3A_83 = arith.constant 0 : i32
            %dma_start3A_84 = tpu.memref_slice %arg20[%dma_start3A_82, %dma_start3A_83] : memref<10240x128xf32, #tpu.memory_space<vmem_shared>> -> memref<10240x128xf32, #tpu.memory_space<vmem_shared>>
            tpu.enqueue_indirect_dma source(%arg18 : memref<80x128xf32, #tpu.memory_space<vmem>>) target(%dma_start3A_84 : memref<10240x128xf32, #tpu.memory_space<vmem_shared>>) offsets(%arg16 : memref<80xi32, #tpu.memory_space<vmem>>) semaphore(%run_scoped3A : memref<!tpu.dma_semaphore, #tpu.memory_space<semaphore_mem>>) {add = true}
            %dma_wait3A_85 = arith.constant 0 : i32
            %dma_wait3A_86 = arith.constant 0 : i32
            %dma_wait3A_87 = tpu.memref_slice %arg20[%dma_wait3A_85, %dma_wait3A_86] : memref<10240x128xf32, #tpu.memory_space<vmem_shared>> -> memref<10240x128xf32, #tpu.memory_space<vmem_shared>>
            tpu.wait_indirect_dma semaphore(%run_scoped3A : memref<!tpu.dma_semaphore, #tpu.memory_space<semaphore_mem>>) src(%arg18 : memref<80x128xf32, #tpu.memory_space<vmem>>) dst(%dma_wait3A_87 : memref<10240x128xf32, #tpu.memory_space<vmem_shared>>)
            tpu.yield
          }) : () -> ()
        } else {
        }
        %add3A_65 = arith.constant 3 : i32
        %add3A_66 = arith.addi %mul3A_34, %add3A_65 : i32
        %lt3A_67 = arith.constant 125 : i32
        %lt3A_68 = arith.cmpi slt, %add3A_66, %lt3A_67 : i32
        %convert_element_type3A_69 = arith.extui %lt3A_68 : i1 to i32
        %cond3A_70 = arith.constant 0 : i32
        %cond3A_71 = arith.cmpi ne, %convert_element_type3A_69, %cond3A_70 : i32
        scf.if %cond3A_71 {
          %dma_wait3A_72 = arith.constant 0 : i32
          %dma_wait3A_73 = arith.constant 0 : i32
          %dma_wait3A_74 = tpu.memref_slice %arg21[%dma_wait3A_72, %dma_wait3A_73] : memref<10240x16xf32, #tpu.memory_space<vmem_shared>> -> memref<10240x16xf32, #tpu.memory_space<vmem_shared>>
          tpu.wait_indirect_dma semaphore(%arg27 : memref<!tpu.dma_semaphore, #tpu.memory_space<semaphore_mem>>) src(%arg19 : memref<80x16xf32, #tpu.memory_space<vmem>>) dst(%dma_wait3A_74 : memref<10240x16xf32, #tpu.memory_space<vmem_shared>>)
        } else {
        }
      }
      %scan3A_24 = arith.constant 63 : i32
      %dma_wait3A_25 = arith.constant 0 : i32
      %dma_wait3A_26 = arith.constant 0 : i32
      %dma_wait3A_27 = tpu.memref_slice %arg21[%dma_wait3A_25, %dma_wait3A_26] : memref<10240x16xf32, #tpu.memory_space<vmem_shared>> -> memref<10240x16xf32, #tpu.memory_space<vmem_shared>>
      tpu.wait_indirect_dma semaphore(%arg26 : memref<!tpu.dma_semaphore, #tpu.memory_space<semaphore_mem>>) src(%arg19 : memref<80x16xf32, #tpu.memory_space<vmem>>) dst(%dma_wait3A_27 : memref<10240x16xf32, #tpu.memory_space<vmem_shared>>)
      %dma_wait3A_28 = arith.constant 0 : i32
      %dma_wait3A_29 = arith.constant 0 : i32
      %dma_wait3A_30 = tpu.memref_slice %arg21[%dma_wait3A_28, %dma_wait3A_29] : memref<10240x16xf32, #tpu.memory_space<vmem_shared>> -> memref<10240x16xf32, #tpu.memory_space<vmem_shared>>
      tpu.wait_indirect_dma semaphore(%arg27 : memref<!tpu.dma_semaphore, #tpu.memory_space<semaphore_mem>>) src(%arg19 : memref<80x16xf32, #tpu.memory_space<vmem>>) dst(%dma_wait3A_30 : memref<10240x16xf32, #tpu.memory_space<vmem_shared>>)
      %barrier3A_31 = arith.constant 0 : index
      tpu.barrier barrier_id(%barrier3A_31)
      "tpu.region"() ({
        %run_scoped3A = tpu.sem_alloc : memref<!tpu.dma_semaphore, #tpu.memory_space<semaphore_mem>>
        %dma_start3A_32 = arith.constant 0 : i32
        %dma_start3A_33 = tpu.memref_slice %arg10[%mul3A_7, %dma_start3A_32] : memref<10240x128xf32, #tpu.memory_space<hbm>> -> memref<640x128xf32, #tpu.memory_space<hbm>>
        %dma_start3A_34 = arith.constant 0 : i32
        %dma_start3A_35 = tpu.memref_slice %arg20[%mul3A_7, %dma_start3A_34] : memref<10240x128xf32, #tpu.memory_space<vmem_shared>> -> memref<640x128xf32, #tpu.memory_space<vmem_shared>>
        tpu.enqueue_dma source(%dma_start3A_35 : memref<640x128xf32, #tpu.memory_space<vmem_shared>>) target(%dma_start3A_33 : memref<640x128xf32, #tpu.memory_space<hbm>>) target_semaphore(%run_scoped3A : memref<!tpu.dma_semaphore, #tpu.memory_space<semaphore_mem>>)
        %dma_wait3A_36 = arith.constant 0 : i32
        %dma_wait3A_37 = tpu.memref_slice %arg10[%mul3A_7, %dma_wait3A_36] : memref<10240x128xf32, #tpu.memory_space<hbm>> -> memref<640x128xf32, #tpu.memory_space<hbm>>
        %dma_wait3A_38 = arith.constant 0 : i32
        %dma_wait3A_39 = tpu.memref_slice %arg20[%mul3A_7, %dma_wait3A_38] : memref<10240x128xf32, #tpu.memory_space<vmem_shared>> -> memref<640x128xf32, #tpu.memory_space<vmem_shared>>
        tpu.wait_dma2 semaphore(%run_scoped3A : memref<!tpu.dma_semaphore, #tpu.memory_space<semaphore_mem>>) src(%dma_wait3A_39 : memref<640x128xf32, #tpu.memory_space<vmem_shared>>) dst(%dma_wait3A_37 : memref<640x128xf32, #tpu.memory_space<hbm>>)
        tpu.yield
      }) : () -> ()
      "tpu.region"() ({
        %run_scoped3A = tpu.sem_alloc : memref<!tpu.dma_semaphore, #tpu.memory_space<semaphore_mem>>
        %dma_start3A_32 = arith.constant 0 : i32
        %dma_start3A_33 = tpu.memref_slice %arg12[%mul3A_7, %dma_start3A_32] : memref<10240x16xf32, #tpu.memory_space<hbm>> -> memref<640x16xf32, #tpu.memory_space<hbm>>
        %dma_start3A_34 = arith.constant 0 : i32
        %dma_start3A_35 = tpu.memref_slice %arg21[%mul3A_7, %dma_start3A_34] : memref<10240x16xf32, #tpu.memory_space<vmem_shared>> -> memref<640x16xf32, #tpu.memory_space<vmem_shared>>
        tpu.enqueue_dma source(%dma_start3A_35 : memref<640x16xf32, #tpu.memory_space<vmem_shared>>) target(%dma_start3A_33 : memref<640x16xf32, #tpu.memory_space<hbm>>) target_semaphore(%run_scoped3A : memref<!tpu.dma_semaphore, #tpu.memory_space<semaphore_mem>>)
        %dma_wait3A_36 = arith.constant 0 : i32
        %dma_wait3A_37 = tpu.memref_slice %arg12[%mul3A_7, %dma_wait3A_36] : memref<10240x16xf32, #tpu.memory_space<hbm>> -> memref<640x16xf32, #tpu.memory_space<hbm>>
        %dma_wait3A_38 = arith.constant 0 : i32
        %dma_wait3A_39 = tpu.memref_slice %arg21[%mul3A_7, %dma_wait3A_38] : memref<10240x16xf32, #tpu.memory_space<vmem_shared>> -> memref<640x16xf32, #tpu.memory_space<vmem_shared>>
        tpu.wait_dma2 semaphore(%run_scoped3A : memref<!tpu.dma_semaphore, #tpu.memory_space<semaphore_mem>>) src(%dma_wait3A_39 : memref<640x16xf32, #tpu.memory_space<vmem_shared>>) dst(%dma_wait3A_37 : memref<640x16xf32, #tpu.memory_space<hbm>>)
        tpu.yield
      }) : () -> ()
    } else {
    }
    %eq3A_2 = arith.constant 1 : i32
    %eq3A_3 = arith.cmpi eq, %arg0, %eq3A_2 : i32
    %convert_element_type3A_4 = arith.extui %eq3A_3 : i1 to i32
    %cond3A_5 = arith.constant 0 : i32
    %cond3A_6 = arith.cmpi ne, %convert_element_type3A_4, %cond3A_5 : i32
    scf.if %cond3A_6 {
      %mul3A = arith.constant 640 : i32
      %mul3A_7 = arith.muli %arg1, %mul3A : i32
      %mul3A_8 = arith.constant 10000 : i32
      %mul3A_9 = arith.muli %arg1, %mul3A_8 : i32
      %dma_start3A = tpu.memref_slice %arg6[%mul3A_9] : memref<160000xi32, #tpu.memory_space<hbm>> -> memref<10000xi32, #tpu.memory_space<hbm>>
      %dma_start3A_10 = tpu.memref_slice %arg6[%mul3A_9] : memref<160000xi32, #tpu.memory_space<hbm>> -> memref<10000xi32, #tpu.memory_space<hbm>>
      tpu.enqueue_dma source(%dma_start3A_10 : memref<10000xi32, #tpu.memory_space<hbm>>) target(%arg14 : memref<10000xi32, #tpu.memory_space<vmem>>) target_semaphore(%arg22 : memref<!tpu.dma_semaphore, #tpu.memory_space<semaphore_mem>>)
      tpu.enqueue_dma source(%arg9 : memref<80x16xf32, #tpu.memory_space<hbm>>) target(%arg19 : memref<80x16xf32, #tpu.memory_space<vmem>>) target_semaphore(%arg23 : memref<!tpu.dma_semaphore, #tpu.memory_space<semaphore_mem>>)
      "tpu.region"() ({
        %run_scoped3A = tpu.sem_alloc : memref<!tpu.dma_semaphore, #tpu.memory_space<semaphore_mem>>
        %dma_start3A_32 = arith.constant 0 : i32
        %dma_start3A_33 = tpu.memref_slice %arg20[%mul3A_7, %dma_start3A_32] : memref<10240x128xf32, #tpu.memory_space<vmem_shared>> -> memref<640x128xf32, #tpu.memory_space<vmem_shared>>
        %dma_start3A_34 = arith.constant 0 : i32
        %dma_start3A_35 = tpu.memref_slice %arg8[%mul3A_7, %dma_start3A_34] : memref<10240x128xf32, #tpu.memory_space<hbm>> -> memref<640x128xf32, #tpu.memory_space<hbm>>
        tpu.enqueue_dma source(%dma_start3A_35 : memref<640x128xf32, #tpu.memory_space<hbm>>) target(%dma_start3A_33 : memref<640x128xf32, #tpu.memory_space<vmem_shared>>) target_semaphore(%run_scoped3A : memref<!tpu.dma_semaphore, #tpu.memory_space<semaphore_mem>>)
        %dma_wait3A_36 = arith.constant 0 : i32
        %dma_wait3A_37 = tpu.memref_slice %arg20[%mul3A_7, %dma_wait3A_36] : memref<10240x128xf32, #tpu.memory_space<vmem_shared>> -> memref<640x128xf32, #tpu.memory_space<vmem_shared>>
        %dma_wait3A_38 = arith.constant 0 : i32
        %dma_wait3A_39 = tpu.memref_slice %arg8[%mul3A_7, %dma_wait3A_38] : memref<10240x128xf32, #tpu.memory_space<hbm>> -> memref<640x128xf32, #tpu.memory_space<hbm>>
        tpu.wait_dma2 semaphore(%run_scoped3A : memref<!tpu.dma_semaphore, #tpu.memory_space<semaphore_mem>>) src(%dma_wait3A_39 : memref<640x128xf32, #tpu.memory_space<hbm>>) dst(%dma_wait3A_37 : memref<640x128xf32, #tpu.memory_space<vmem_shared>>)
        tpu.yield
      }) : () -> ()
      "tpu.region"() ({
        %run_scoped3A = tpu.sem_alloc : memref<!tpu.dma_semaphore, #tpu.memory_space<semaphore_mem>>
        %dma_start3A_32 = arith.constant 0 : i32
        %dma_start3A_33 = tpu.memref_slice %arg21[%mul3A_7, %dma_start3A_32] : memref<10240x16xf32, #tpu.memory_space<vmem_shared>> -> memref<640x16xf32, #tpu.memory_space<vmem_shared>>
        %dma_start3A_34 = arith.constant 0 : i32
        %dma_start3A_35 = tpu.memref_slice %arg8[%mul3A_7, %dma_start3A_34] : memref<10240x128xf32, #tpu.memory_space<hbm>> -> memref<640x16xf32, #tpu.memory_space<hbm>>
        tpu.enqueue_dma source(%dma_start3A_35 : memref<640x16xf32, #tpu.memory_space<hbm>>) target(%dma_start3A_33 : memref<640x16xf32, #tpu.memory_space<vmem_shared>>) target_semaphore(%run_scoped3A : memref<!tpu.dma_semaphore, #tpu.memory_space<semaphore_mem>>)
        %dma_wait3A_36 = arith.constant 0 : i32
        %dma_wait3A_37 = tpu.memref_slice %arg21[%mul3A_7, %dma_wait3A_36] : memref<10240x16xf32, #tpu.memory_space<vmem_shared>> -> memref<640x16xf32, #tpu.memory_space<vmem_shared>>
        %dma_wait3A_38 = arith.constant 0 : i32
        %dma_wait3A_39 = tpu.memref_slice %arg8[%mul3A_7, %dma_wait3A_38] : memref<10240x128xf32, #tpu.memory_space<hbm>> -> memref<640x16xf32, #tpu.memory_space<hbm>>
        tpu.wait_dma2 semaphore(%run_scoped3A : memref<!tpu.dma_semaphore, #tpu.memory_space<semaphore_mem>>) src(%dma_wait3A_39 : memref<640x16xf32, #tpu.memory_space<hbm>>) dst(%dma_wait3A_37 : memref<640x16xf32, #tpu.memory_space<vmem_shared>>)
        tpu.yield
      }) : () -> ()
      %dma_wait3A = tpu.memref_slice %arg6[%mul3A_9] : memref<160000xi32, #tpu.memory_space<hbm>> -> memref<10000xi32, #tpu.memory_space<hbm>>
      %dma_wait3A_11 = tpu.memref_slice %arg6[%mul3A_9] : memref<160000xi32, #tpu.memory_space<hbm>> -> memref<10000xi32, #tpu.memory_space<hbm>>
      tpu.wait_dma2 semaphore(%arg22 : memref<!tpu.dma_semaphore, #tpu.memory_space<semaphore_mem>>) src(%dma_wait3A_11 : memref<10000xi32, #tpu.memory_space<hbm>>) dst(%arg14 : memref<10000xi32, #tpu.memory_space<vmem>>)
      tpu.wait_dma2 semaphore(%arg23 : memref<!tpu.dma_semaphore, #tpu.memory_space<semaphore_mem>>) src(%arg9 : memref<80x16xf32, #tpu.memory_space<hbm>>) dst(%arg19 : memref<80x16xf32, #tpu.memory_space<vmem>>)
      %barrier3A = arith.constant 0 : index
      tpu.barrier barrier_id(%barrier3A)
      %dma_start3A_12 = arith.constant 0 : i32
      %dma_start3A_13 = tpu.memref_slice %arg14[%dma_start3A_12] : memref<10000xi32, #tpu.memory_space<vmem>> -> memref<80xi32, #tpu.memory_space<vmem>>
      %dma_start3A_14 = arith.constant 0 : i32
      %dma_start3A_15 = arith.constant 0 : i32
      %dma_start3A_16 = tpu.memref_slice %arg3[%dma_start3A_14, %dma_start3A_15] : memref<10000x128xf32, #tpu.memory_space<hbm>> -> memref<10000x128xf32, #tpu.memory_space<hbm>>
      tpu.enqueue_indirect_dma source(%dma_start3A_16 : memref<10000x128xf32, #tpu.memory_space<hbm>>) target(%arg17 : memref<80x128xf32, #tpu.memory_space<vmem>>) offsets(%dma_start3A_13 : memref<80xi32, #tpu.memory_space<vmem>>) semaphore(%arg22 : memref<!tpu.dma_semaphore, #tpu.memory_space<semaphore_mem>>)
      %add3A = arith.constant 0 : i32
      %add3A_17 = arith.addi %mul3A_9, %add3A : i32
      %dma_start3A_18 = tpu.memref_slice %arg7[%add3A_17] : memref<160000xi32, #tpu.memory_space<hbm>> -> memref<80xi32, #tpu.memory_space<hbm>>
      %dma_start3A_19 = tpu.memref_slice %arg7[%add3A_17] : memref<160000xi32, #tpu.memory_space<hbm>> -> memref<80xi32, #tpu.memory_space<hbm>>
      tpu.enqueue_dma source(%dma_start3A_19 : memref<80xi32, #tpu.memory_space<hbm>>) target(%arg15 : memref<80xi32, #tpu.memory_space<vmem>>) target_semaphore(%arg24 : memref<!tpu.dma_semaphore, #tpu.memory_space<semaphore_mem>>)
      %scan3A = arith.constant 0 : i32
      %scan3A_20 = arith.constant 0 : i32
      %scan3A_21 = arith.constant 63 : i32
      %scan3A_22 = arith.addi %scan3A_20, %scan3A_21 : i32
      %scan3A_23 = arith.constant 1 : i32
      scf.for %scan3A_32 = %scan3A_20 to %scan3A_22 step %scan3A_23  : i32 {
        %mul3A_33 = arith.constant 2 : i32
        %mul3A_34 = arith.muli %mul3A_33, %scan3A_32 : i32
        %add3A_35 = arith.constant 1 : i32
        %add3A_36 = arith.addi %mul3A_34, %add3A_35 : i32
        %lt3A = arith.constant 125 : i32
        %lt3A_37 = arith.cmpi slt, %add3A_36, %lt3A : i32
        %convert_element_type3A_38 = arith.extui %lt3A_37 : i1 to i32
        %cond3A_39 = arith.constant 0 : i32
        %cond3A_40 = arith.cmpi ne, %convert_element_type3A_38, %cond3A_39 : i32
        scf.if %cond3A_40 {
          %add3A_72 = arith.constant 1 : i32
          %add3A_73 = arith.addi %mul3A_34, %add3A_72 : i32
          %mul3A_74 = arith.constant 80 : i32
          %mul3A_75 = arith.muli %add3A_73, %mul3A_74 : i32
          %dma_start3A_76 = tpu.memref_slice %arg14[%mul3A_75] : memref<10000xi32, #tpu.memory_space<vmem>> -> memref<80xi32, #tpu.memory_space<vmem>>
          %dma_start3A_77 = arith.constant 0 : i32
          %dma_start3A_78 = arith.constant 0 : i32
          %dma_start3A_79 = tpu.memref_slice %arg3[%dma_start3A_77, %dma_start3A_78] : memref<10000x128xf32, #tpu.memory_space<hbm>> -> memref<10000x128xf32, #tpu.memory_space<hbm>>
          tpu.enqueue_indirect_dma source(%dma_start3A_79 : memref<10000x128xf32, #tpu.memory_space<hbm>>) target(%arg18 : memref<80x128xf32, #tpu.memory_space<vmem>>) offsets(%dma_start3A_76 : memref<80xi32, #tpu.memory_space<vmem>>) semaphore(%arg23 : memref<!tpu.dma_semaphore, #tpu.memory_space<semaphore_mem>>)
          %add3A_80 = arith.constant 1 : i32
          %add3A_81 = arith.addi %mul3A_34, %add3A_80 : i32
          %mul3A_82 = arith.constant 80 : i32
          %mul3A_83 = arith.muli %add3A_81, %mul3A_82 : i32
          %add3A_84 = arith.addi %mul3A_9, %mul3A_83 : i32
          %dma_start3A_85 = tpu.memref_slice %arg7[%add3A_84] : memref<160000xi32, #tpu.memory_space<hbm>> -> memref<80xi32, #tpu.memory_space<hbm>>
          %dma_start3A_86 = tpu.memref_slice %arg7[%add3A_84] : memref<160000xi32, #tpu.memory_space<hbm>> -> memref<80xi32, #tpu.memory_space<hbm>>
          tpu.enqueue_dma source(%dma_start3A_86 : memref<80xi32, #tpu.memory_space<hbm>>) target(%arg16 : memref<80xi32, #tpu.memory_space<vmem>>) target_semaphore(%arg25 : memref<!tpu.dma_semaphore, #tpu.memory_space<semaphore_mem>>)
        } else {
        }
        %dma_wait3A_41 = arith.constant 0 : i32
        %dma_wait3A_42 = tpu.memref_slice %arg14[%dma_wait3A_41] : memref<10000xi32, #tpu.memory_space<vmem>> -> memref<80xi32, #tpu.memory_space<vmem>>
        %dma_wait3A_43 = arith.constant 0 : i32
        %dma_wait3A_44 = arith.constant 0 : i32
        %dma_wait3A_45 = tpu.memref_slice %arg3[%dma_wait3A_43, %dma_wait3A_44] : memref<10000x128xf32, #tpu.memory_space<hbm>> -> memref<10000x128xf32, #tpu.memory_space<hbm>>
        tpu.wait_indirect_dma semaphore(%arg22 : memref<!tpu.dma_semaphore, #tpu.memory_space<semaphore_mem>>) src(%dma_wait3A_45 : memref<10000x128xf32, #tpu.memory_space<hbm>>) dst(%arg17 : memref<80x128xf32, #tpu.memory_space<vmem>>)
        %dma_wait3A_46 = tpu.memref_slice %arg7[%mul3A_9] : memref<160000xi32, #tpu.memory_space<hbm>> -> memref<80xi32, #tpu.memory_space<hbm>>
        %dma_wait3A_47 = tpu.memref_slice %arg7[%mul3A_9] : memref<160000xi32, #tpu.memory_space<hbm>> -> memref<80xi32, #tpu.memory_space<hbm>>
        tpu.wait_dma2 semaphore(%arg24 : memref<!tpu.dma_semaphore, #tpu.memory_space<semaphore_mem>>) src(%dma_wait3A_47 : memref<80xi32, #tpu.memory_space<hbm>>) dst(%arg15 : memref<80xi32, #tpu.memory_space<vmem>>)
        %dma_start3A_48 = arith.constant 0 : i32
        %dma_start3A_49 = arith.constant 0 : i32
        %dma_start3A_50 = tpu.memref_slice %arg21[%dma_start3A_48, %dma_start3A_49] : memref<10240x16xf32, #tpu.memory_space<vmem_shared>> -> memref<10240x16xf32, #tpu.memory_space<vmem_shared>>
        tpu.enqueue_indirect_dma source(%arg19 : memref<80x16xf32, #tpu.memory_space<vmem>>) target(%dma_start3A_50 : memref<10240x16xf32, #tpu.memory_space<vmem_shared>>) offsets(%arg15 : memref<80xi32, #tpu.memory_space<vmem>>) semaphore(%arg26 : memref<!tpu.dma_semaphore, #tpu.memory_space<semaphore_mem>>) {add = true}
        "tpu.region"() ({
          %run_scoped3A = tpu.sem_alloc : memref<!tpu.dma_semaphore, #tpu.memory_space<semaphore_mem>>
          %dma_start3A_72 = arith.constant 0 : i32
          %dma_start3A_73 = arith.constant 0 : i32
          %dma_start3A_74 = tpu.memref_slice %arg20[%dma_start3A_72, %dma_start3A_73] : memref<10240x128xf32, #tpu.memory_space<vmem_shared>> -> memref<10240x128xf32, #tpu.memory_space<vmem_shared>>
          tpu.enqueue_indirect_dma source(%arg17 : memref<80x128xf32, #tpu.memory_space<vmem>>) target(%dma_start3A_74 : memref<10240x128xf32, #tpu.memory_space<vmem_shared>>) offsets(%arg15 : memref<80xi32, #tpu.memory_space<vmem>>) semaphore(%run_scoped3A : memref<!tpu.dma_semaphore, #tpu.memory_space<semaphore_mem>>) {add = true}
          %dma_wait3A_75 = arith.constant 0 : i32
          %dma_wait3A_76 = arith.constant 0 : i32
          %dma_wait3A_77 = tpu.memref_slice %arg20[%dma_wait3A_75, %dma_wait3A_76] : memref<10240x128xf32, #tpu.memory_space<vmem_shared>> -> memref<10240x128xf32, #tpu.memory_space<vmem_shared>>
          tpu.wait_indirect_dma semaphore(%run_scoped3A : memref<!tpu.dma_semaphore, #tpu.memory_space<semaphore_mem>>) src(%arg17 : memref<80x128xf32, #tpu.memory_space<vmem>>) dst(%dma_wait3A_77 : memref<10240x128xf32, #tpu.memory_space<vmem_shared>>)
          tpu.yield
        }) : () -> ()
        %add3A_51 = arith.constant 2 : i32
        %add3A_52 = arith.addi %mul3A_34, %add3A_51 : i32
        %lt3A_53 = arith.constant 125 : i32
        %lt3A_54 = arith.cmpi slt, %add3A_52, %lt3A_53 : i32
        %convert_element_type3A_55 = arith.extui %lt3A_54 : i1 to i32
        %cond3A_56 = arith.constant 0 : i32
        %cond3A_57 = arith.cmpi ne, %convert_element_type3A_55, %cond3A_56 : i32
        scf.if %cond3A_57 {
          %dma_wait3A_72 = arith.constant 0 : i32
          %dma_wait3A_73 = arith.constant 0 : i32
          %dma_wait3A_74 = tpu.memref_slice %arg21[%dma_wait3A_72, %dma_wait3A_73] : memref<10240x16xf32, #tpu.memory_space<vmem_shared>> -> memref<10240x16xf32, #tpu.memory_space<vmem_shared>>
          tpu.wait_indirect_dma semaphore(%arg26 : memref<!tpu.dma_semaphore, #tpu.memory_space<semaphore_mem>>) src(%arg19 : memref<80x16xf32, #tpu.memory_space<vmem>>) dst(%dma_wait3A_74 : memref<10240x16xf32, #tpu.memory_space<vmem_shared>>)
          %add3A_75 = arith.constant 2 : i32
          %add3A_76 = arith.addi %mul3A_34, %add3A_75 : i32
          %mul3A_77 = arith.constant 80 : i32
          %mul3A_78 = arith.muli %add3A_76, %mul3A_77 : i32
          %dma_start3A_79 = tpu.memref_slice %arg14[%mul3A_78] : memref<10000xi32, #tpu.memory_space<vmem>> -> memref<80xi32, #tpu.memory_space<vmem>>
          %dma_start3A_80 = arith.constant 0 : i32
          %dma_start3A_81 = arith.constant 0 : i32
          %dma_start3A_82 = tpu.memref_slice %arg3[%dma_start3A_80, %dma_start3A_81] : memref<10000x128xf32, #tpu.memory_space<hbm>> -> memref<10000x128xf32, #tpu.memory_space<hbm>>
          tpu.enqueue_indirect_dma source(%dma_start3A_82 : memref<10000x128xf32, #tpu.memory_space<hbm>>) target(%arg17 : memref<80x128xf32, #tpu.memory_space<vmem>>) offsets(%dma_start3A_79 : memref<80xi32, #tpu.memory_space<vmem>>) semaphore(%arg22 : memref<!tpu.dma_semaphore, #tpu.memory_space<semaphore_mem>>)
          %add3A_83 = arith.constant 2 : i32
          %add3A_84 = arith.addi %mul3A_34, %add3A_83 : i32
          %mul3A_85 = arith.constant 80 : i32
          %mul3A_86 = arith.muli %add3A_84, %mul3A_85 : i32
          %add3A_87 = arith.addi %mul3A_9, %mul3A_86 : i32
          %dma_start3A_88 = tpu.memref_slice %arg7[%add3A_87] : memref<160000xi32, #tpu.memory_space<hbm>> -> memref<80xi32, #tpu.memory_space<hbm>>
          %dma_start3A_89 = tpu.memref_slice %arg7[%add3A_87] : memref<160000xi32, #tpu.memory_space<hbm>> -> memref<80xi32, #tpu.memory_space<hbm>>
          tpu.enqueue_dma source(%dma_start3A_89 : memref<80xi32, #tpu.memory_space<hbm>>) target(%arg15 : memref<80xi32, #tpu.memory_space<vmem>>) target_semaphore(%arg24 : memref<!tpu.dma_semaphore, #tpu.memory_space<semaphore_mem>>)
        } else {
        }
        %add3A_58 = arith.constant 1 : i32
        %add3A_59 = arith.addi %mul3A_34, %add3A_58 : i32
        %lt3A_60 = arith.constant 125 : i32
        %lt3A_61 = arith.cmpi slt, %add3A_59, %lt3A_60 : i32
        %convert_element_type3A_62 = arith.extui %lt3A_61 : i1 to i32
        %cond3A_63 = arith.constant 0 : i32
        %cond3A_64 = arith.cmpi ne, %convert_element_type3A_62, %cond3A_63 : i32
        scf.if %cond3A_64 {
          %dma_wait3A_72 = arith.constant 0 : i32
          %dma_wait3A_73 = tpu.memref_slice %arg14[%dma_wait3A_72] : memref<10000xi32, #tpu.memory_space<vmem>> -> memref<80xi32, #tpu.memory_space<vmem>>
          %dma_wait3A_74 = arith.constant 0 : i32
          %dma_wait3A_75 = arith.constant 0 : i32
          %dma_wait3A_76 = tpu.memref_slice %arg3[%dma_wait3A_74, %dma_wait3A_75] : memref<10000x128xf32, #tpu.memory_space<hbm>> -> memref<10000x128xf32, #tpu.memory_space<hbm>>
          tpu.wait_indirect_dma semaphore(%arg23 : memref<!tpu.dma_semaphore, #tpu.memory_space<semaphore_mem>>) src(%dma_wait3A_76 : memref<10000x128xf32, #tpu.memory_space<hbm>>) dst(%arg18 : memref<80x128xf32, #tpu.memory_space<vmem>>)
          %dma_wait3A_77 = tpu.memref_slice %arg7[%mul3A_9] : memref<160000xi32, #tpu.memory_space<hbm>> -> memref<80xi32, #tpu.memory_space<hbm>>
          %dma_wait3A_78 = tpu.memref_slice %arg7[%mul3A_9] : memref<160000xi32, #tpu.memory_space<hbm>> -> memref<80xi32, #tpu.memory_space<hbm>>
          tpu.wait_dma2 semaphore(%arg25 : memref<!tpu.dma_semaphore, #tpu.memory_space<semaphore_mem>>) src(%dma_wait3A_78 : memref<80xi32, #tpu.memory_space<hbm>>) dst(%arg16 : memref<80xi32, #tpu.memory_space<vmem>>)
          %dma_start3A_79 = arith.constant 0 : i32
          %dma_start3A_80 = arith.constant 0 : i32
          %dma_start3A_81 = tpu.memref_slice %arg21[%dma_start3A_79, %dma_start3A_80] : memref<10240x16xf32, #tpu.memory_space<vmem_shared>> -> memref<10240x16xf32, #tpu.memory_space<vmem_shared>>
          tpu.enqueue_indirect_dma source(%arg19 : memref<80x16xf32, #tpu.memory_space<vmem>>) target(%dma_start3A_81 : memref<10240x16xf32, #tpu.memory_space<vmem_shared>>) offsets(%arg16 : memref<80xi32, #tpu.memory_space<vmem>>) semaphore(%arg27 : memref<!tpu.dma_semaphore, #tpu.memory_space<semaphore_mem>>) {add = true}
          "tpu.region"() ({
            %run_scoped3A = tpu.sem_alloc : memref<!tpu.dma_semaphore, #tpu.memory_space<semaphore_mem>>
            %dma_start3A_82 = arith.constant 0 : i32
            %dma_start3A_83 = arith.constant 0 : i32
            %dma_start3A_84 = tpu.memref_slice %arg20[%dma_start3A_82, %dma_start3A_83] : memref<10240x128xf32, #tpu.memory_space<vmem_shared>> -> memref<10240x128xf32, #tpu.memory_space<vmem_shared>>
            tpu.enqueue_indirect_dma source(%arg18 : memref<80x128xf32, #tpu.memory_space<vmem>>) target(%dma_start3A_84 : memref<10240x128xf32, #tpu.memory_space<vmem_shared>>) offsets(%arg16 : memref<80xi32, #tpu.memory_space<vmem>>) semaphore(%run_scoped3A : memref<!tpu.dma_semaphore, #tpu.memory_space<semaphore_mem>>) {add = true}
            %dma_wait3A_85 = arith.constant 0 : i32
            %dma_wait3A_86 = arith.constant 0 : i32
            %dma_wait3A_87 = tpu.memref_slice %arg20[%dma_wait3A_85, %dma_wait3A_86] : memref<10240x128xf32, #tpu.memory_space<vmem_shared>> -> memref<10240x128xf32, #tpu.memory_space<vmem_shared>>
            tpu.wait_indirect_dma semaphore(%run_scoped3A : memref<!tpu.dma_semaphore, #tpu.memory_space<semaphore_mem>>) src(%arg18 : memref<80x128xf32, #tpu.memory_space<vmem>>) dst(%dma_wait3A_87 : memref<10240x128xf32, #tpu.memory_space<vmem_shared>>)
            tpu.yield
          }) : () -> ()
        } else {
        }
        %add3A_65 = arith.constant 3 : i32
        %add3A_66 = arith.addi %mul3A_34, %add3A_65 : i32
        %lt3A_67 = arith.constant 125 : i32
        %lt3A_68 = arith.cmpi slt, %add3A_66, %lt3A_67 : i32
        %convert_element_type3A_69 = arith.extui %lt3A_68 : i1 to i32
        %cond3A_70 = arith.constant 0 : i32
        %cond3A_71 = arith.cmpi ne, %convert_element_type3A_69, %cond3A_70 : i32
        scf.if %cond3A_71 {
          %dma_wait3A_72 = arith.constant 0 : i32
          %dma_wait3A_73 = arith.constant 0 : i32
          %dma_wait3A_74 = tpu.memref_slice %arg21[%dma_wait3A_72, %dma_wait3A_73] : memref<10240x16xf32, #tpu.memory_space<vmem_shared>> -> memref<10240x16xf32, #tpu.memory_space<vmem_shared>>
          tpu.wait_indirect_dma semaphore(%arg27 : memref<!tpu.dma_semaphore, #tpu.memory_space<semaphore_mem>>) src(%arg19 : memref<80x16xf32, #tpu.memory_space<vmem>>) dst(%dma_wait3A_74 : memref<10240x16xf32, #tpu.memory_space<vmem_shared>>)
        } else {
        }
      }
      %scan3A_24 = arith.constant 63 : i32
      %dma_wait3A_25 = arith.constant 0 : i32
      %dma_wait3A_26 = arith.constant 0 : i32
      %dma_wait3A_27 = tpu.memref_slice %arg21[%dma_wait3A_25, %dma_wait3A_26] : memref<10240x16xf32, #tpu.memory_space<vmem_shared>> -> memref<10240x16xf32, #tpu.memory_space<vmem_shared>>
      tpu.wait_indirect_dma semaphore(%arg26 : memref<!tpu.dma_semaphore, #tpu.memory_space<semaphore_mem>>) src(%arg19 : memref<80x16xf32, #tpu.memory_space<vmem>>) dst(%dma_wait3A_27 : memref<10240x16xf32, #tpu.memory_space<vmem_shared>>)
      %dma_wait3A_28 = arith.constant 0 : i32
      %dma_wait3A_29 = arith.constant 0 : i32
      %dma_wait3A_30 = tpu.memref_slice %arg21[%dma_wait3A_28, %dma_wait3A_29] : memref<10240x16xf32, #tpu.memory_space<vmem_shared>> -> memref<10240x16xf32, #tpu.memory_space<vmem_shared>>
      tpu.wait_indirect_dma semaphore(%arg27 : memref<!tpu.dma_semaphore, #tpu.memory_space<semaphore_mem>>) src(%arg19 : memref<80x16xf32, #tpu.memory_space<vmem>>) dst(%dma_wait3A_30 : memref<10240x16xf32, #tpu.memory_space<vmem_shared>>)
      %barrier3A_31 = arith.constant 0 : index
      tpu.barrier barrier_id(%barrier3A_31)
      "tpu.region"() ({
        %run_scoped3A = tpu.sem_alloc : memref<!tpu.dma_semaphore, #tpu.memory_space<semaphore_mem>>
        %dma_start3A_32 = arith.constant 0 : i32
        %dma_start3A_33 = tpu.memref_slice %arg11[%mul3A_7, %dma_start3A_32] : memref<10240x128xf32, #tpu.memory_space<hbm>> -> memref<640x128xf32, #tpu.memory_space<hbm>>
        %dma_start3A_34 = arith.constant 0 : i32
        %dma_start3A_35 = tpu.memref_slice %arg20[%mul3A_7, %dma_start3A_34] : memref<10240x128xf32, #tpu.memory_space<vmem_shared>> -> memref<640x128xf32, #tpu.memory_space<vmem_shared>>
        tpu.enqueue_dma source(%dma_start3A_35 : memref<640x128xf32, #tpu.memory_space<vmem_shared>>) target(%dma_start3A_33 : memref<640x128xf32, #tpu.memory_space<hbm>>) target_semaphore(%run_scoped3A : memref<!tpu.dma_semaphore, #tpu.memory_space<semaphore_mem>>)
        %dma_wait3A_36 = arith.constant 0 : i32
        %dma_wait3A_37 = tpu.memref_slice %arg11[%mul3A_7, %dma_wait3A_36] : memref<10240x128xf32, #tpu.memory_space<hbm>> -> memref<640x128xf32, #tpu.memory_space<hbm>>
        %dma_wait3A_38 = arith.constant 0 : i32
        %dma_wait3A_39 = tpu.memref_slice %arg20[%mul3A_7, %dma_wait3A_38] : memref<10240x128xf32, #tpu.memory_space<vmem_shared>> -> memref<640x128xf32, #tpu.memory_space<vmem_shared>>
        tpu.wait_dma2 semaphore(%run_scoped3A : memref<!tpu.dma_semaphore, #tpu.memory_space<semaphore_mem>>) src(%dma_wait3A_39 : memref<640x128xf32, #tpu.memory_space<vmem_shared>>) dst(%dma_wait3A_37 : memref<640x128xf32, #tpu.memory_space<hbm>>)
        tpu.yield
      }) : () -> ()
      "tpu.region"() ({
        %run_scoped3A = tpu.sem_alloc : memref<!tpu.dma_semaphore, #tpu.memory_space<semaphore_mem>>
        %dma_start3A_32 = arith.constant 0 : i32
        %dma_start3A_33 = tpu.memref_slice %arg13[%mul3A_7, %dma_start3A_32] : memref<10240x16xf32, #tpu.memory_space<hbm>> -> memref<640x16xf32, #tpu.memory_space<hbm>>
        %dma_start3A_34 = arith.constant 0 : i32
        %dma_start3A_35 = tpu.memref_slice %arg21[%mul3A_7, %dma_start3A_34] : memref<10240x16xf32, #tpu.memory_space<vmem_shared>> -> memref<640x16xf32, #tpu.memory_space<vmem_shared>>
        tpu.enqueue_dma source(%dma_start3A_35 : memref<640x16xf32, #tpu.memory_space<vmem_shared>>) target(%dma_start3A_33 : memref<640x16xf32, #tpu.memory_space<hbm>>) target_semaphore(%run_scoped3A : memref<!tpu.dma_semaphore, #tpu.memory_space<semaphore_mem>>)
        %dma_wait3A_36 = arith.constant 0 : i32
        %dma_wait3A_37 = tpu.memref_slice %arg13[%mul3A_7, %dma_wait3A_36] : memref<10240x16xf32, #tpu.memory_space<hbm>> -> memref<640x16xf32, #tpu.memory_space<hbm>>
        %dma_wait3A_38 = arith.constant 0 : i32
        %dma_wait3A_39 = tpu.memref_slice %arg21[%mul3A_7, %dma_wait3A_38] : memref<10240x16xf32, #tpu.memory_space<vmem_shared>> -> memref<640x16xf32, #tpu.memory_space<vmem_shared>>
        tpu.wait_dma2 semaphore(%run_scoped3A : memref<!tpu.dma_semaphore, #tpu.memory_space<semaphore_mem>>) src(%dma_wait3A_39 : memref<640x16xf32, #tpu.memory_space<vmem_shared>>) dst(%dma_wait3A_37 : memref<640x16xf32, #tpu.memory_space<hbm>>)
        tpu.yield
      }) : () -> ()
    } else {
    }
    return
  }
}

module attributes {stable_mosaic.version = 14 : i64} {
  func.func @_matmuls_body(%arg0: i32, %arg1: memref<2000x128xf32, #tpu.memory_space<vmem>>, %arg2: memref<128x128xf32, #tpu.memory_space<vmem>>, %arg3: memref<128x128xf32, #tpu.memory_space<vmem>>, %arg4: memref<128x128xf32, #tpu.memory_space<vmem>>, %arg5: memref<1x128xf32, #tpu.memory_space<vmem>>, %arg6: memref<2000x128xf32, #tpu.memory_space<vmem>>, %arg7: memref<2000x128xf32, #tpu.memory_space<vmem>>, %arg8: memref<2000x128xf32, #tpu.memory_space<vmem>>) attributes {dimension_semantics = [#tpu.dimension_semantics<arbitrary>], iteration_bounds = array<i64: 5>, scalar_prefetch = 0 : i64, scratch_operands = 0 : i64, tpu.core_type = #tpu.core_type<tc>, window_params = [{transform_indices = @transform_0, window_bounds = array<i64: 2000, 128>}, {pipeline_mode = #tpu.pipeline_mode<synchronous>, transform_indices = @transform_1, window_bounds = array<i64: 128, 128>}, {pipeline_mode = #tpu.pipeline_mode<synchronous>, transform_indices = @transform_2, window_bounds = array<i64: 128, 128>}, {pipeline_mode = #tpu.pipeline_mode<synchronous>, transform_indices = @transform_3, window_bounds = array<i64: 128, 128>}, {pipeline_mode = #tpu.pipeline_mode<synchronous>, transform_indices = @transform_4, window_bounds = array<i64: 1, 128>}, {transform_indices = @transform_5, window_bounds = array<i64: 2000, 128>}, {transform_indices = @transform_6, window_bounds = array<i64: 2000, 128>}, {transform_indices = @transform_7, window_bounds = array<i64: 2000, 128>}]} {
    %get3A = arith.constant 0 : index
    %get3A_0 = arith.constant 0 : index
    %get3A_1 = vector.load %arg1[%get3A, %get3A_0] : memref<2000x128xf32, #tpu.memory_space<vmem>>, vector<2000x128xf32>
    %get3A_2 = arith.constant 0 : index
    %get3A_3 = arith.constant 0 : index
    %get3A_4 = vector.load %arg2[%get3A_2, %get3A_3] : memref<128x128xf32, #tpu.memory_space<vmem>>, vector<128x128xf32>
    %dot_general3A = arith.constant dense<0.000000e+00> : vector<2000x128xf32>
    %dot_general3A_5 = tpu.matmul %get3A_1, %get3A_4, %dot_general3A {dimension_numbers = #tpu.dot_dimension_numbers<[1], [0], [0], [1], [0, 0, 1, 1], [], []>, transpose_lhs_hint = false} : vector<2000x128xf32>, vector<128x128xf32>, vector<2000x128xf32> -> vector<2000x128xf32>
    %swap3A = arith.constant 0 : index
    %swap3A_6 = arith.constant 0 : index
    %swap3A_7 = vector.load %arg6[%swap3A, %swap3A_6] : memref<2000x128xf32, #tpu.memory_space<vmem>>, vector<2000x128xf32>
    tpu.vector_store %arg6[%swap3A, %swap3A_6], %dot_general3A_5 {strides = array<i32>} : memref<2000x128xf32, #tpu.memory_space<vmem>>, vector<2000x128xf32>,
    %get3A_8 = arith.constant 0 : index
    %get3A_9 = arith.constant 0 : index
    %get3A_10 = vector.load %arg3[%get3A_8, %get3A_9] : memref<128x128xf32, #tpu.memory_space<vmem>>, vector<128x128xf32>
    %dot_general3A_11 = arith.constant dense<0.000000e+00> : vector<2000x128xf32>
    %dot_general3A_12 = tpu.matmul %get3A_1, %get3A_10, %dot_general3A_11 {dimension_numbers = #tpu.dot_dimension_numbers<[1], [0], [0], [1], [0, 0, 1, 1], [], []>, transpose_lhs_hint = false} : vector<2000x128xf32>, vector<128x128xf32>, vector<2000x128xf32> -> vector<2000x128xf32>
    %swap3A_13 = arith.constant 0 : index
    %swap3A_14 = arith.constant 0 : index
    %swap3A_15 = vector.load %arg7[%swap3A_13, %swap3A_14] : memref<2000x128xf32, #tpu.memory_space<vmem>>, vector<2000x128xf32>
    tpu.vector_store %arg7[%swap3A_13, %swap3A_14], %dot_general3A_12 {strides = array<i32>} : memref<2000x128xf32, #tpu.memory_space<vmem>>, vector<2000x128xf32>,
    %get3A_16 = arith.constant 0 : index
    %get3A_17 = arith.constant 0 : index
    %get3A_18 = vector.load %arg4[%get3A_16, %get3A_17] : memref<128x128xf32, #tpu.memory_space<vmem>>, vector<128x128xf32>
    %dot_general3A_19 = arith.constant dense<0.000000e+00> : vector<2000x128xf32>
    %dot_general3A_20 = tpu.matmul %get3A_1, %get3A_18, %dot_general3A_19 {dimension_numbers = #tpu.dot_dimension_numbers<[1], [0], [0], [1], [0, 0, 1, 1], [], []>, transpose_lhs_hint = false} : vector<2000x128xf32>, vector<128x128xf32>, vector<2000x128xf32> -> vector<2000x128xf32>
    %get3A_21 = arith.constant 0 : index
    %get3A_22 = arith.constant 0 : index
    %get3A_23 = vector.load %arg5[%get3A_21, %get3A_22] : memref<1x128xf32, #tpu.memory_space<vmem>>, vector<1x128xf32>
    %add3A = vector.broadcast %get3A_23 : vector<1x128xf32> to vector<2000x128xf32>
    %add3A_24 = arith.addf %dot_general3A_20, %add3A : vector<2000x128xf32>
    %swap3A_25 = arith.constant 0 : index
    %swap3A_26 = arith.constant 0 : index
    %swap3A_27 = vector.load %arg8[%swap3A_25, %swap3A_26] : memref<2000x128xf32, #tpu.memory_space<vmem>>, vector<2000x128xf32>
    tpu.vector_store %arg8[%swap3A_25, %swap3A_26], %add3A_24 {strides = array<i32>} : memref<2000x128xf32, #tpu.memory_space<vmem>>, vector<2000x128xf32>,
    return
  }
  func.func @transform_0(%arg0: i32) -> (i32, i32) {
    %c0_i32 = arith.constant 0 : i32
    %c0_i32_0 = arith.constant 0 : i32
    return %arg0, %c0_i32 : i32, i32
  }
  func.func @transform_1(%arg0: i32) -> (i32, i32) {
    %c0_i32 = arith.constant 0 : i32
    %c0_i32_0 = arith.constant 0 : i32
    %c0_i32_1 = arith.constant 0 : i32
    return %c0_i32, %c0_i32_0 : i32, i32
  }
  func.func @transform_2(%arg0: i32) -> (i32, i32) {
    %c0_i32 = arith.constant 0 : i32
    %c0_i32_0 = arith.constant 0 : i32
    %c0_i32_1 = arith.constant 0 : i32
    return %c0_i32, %c0_i32_0 : i32, i32
  }
  func.func @transform_3(%arg0: i32) -> (i32, i32) {
    %c0_i32 = arith.constant 0 : i32
    %c0_i32_0 = arith.constant 0 : i32
    %c0_i32_1 = arith.constant 0 : i32
    return %c0_i32, %c0_i32_0 : i32, i32
  }
  func.func @transform_4(%arg0: i32) -> (i32, i32) {
    %c0_i32 = arith.constant 0 : i32
    %c0_i32_0 = arith.constant 0 : i32
    %c0_i32_1 = arith.constant 0 : i32
    return %c0_i32, %c0_i32_0 : i32, i32
  }
  func.func @transform_5(%arg0: i32) -> (i32, i32) {
    %c0_i32 = arith.constant 0 : i32
    %c0_i32_0 = arith.constant 0 : i32
    return %arg0, %c0_i32 : i32, i32
  }
  func.func @transform_6(%arg0: i32) -> (i32, i32) {
    %c0_i32 = arith.constant 0 : i32
    %c0_i32_0 = arith.constant 0 : i32
    return %arg0, %c0_i32 : i32, i32
  }
  func.func @transform_7(%arg0: i32) -> (i32, i32) {
    %c0_i32 = arith.constant 0 : i32
    %c0_i32_0 = arith.constant 0 : i32
    return %arg0, %c0_i32 : i32, i32
  }
}

module attributes {stable_mosaic.version = 14 : i64} {
  func.func @_finalize_body(%arg0: i32, %arg1: memref<2000x128xf32, #tpu.memory_space<vmem>>, %arg2: memref<2000x128xf32, #tpu.memory_space<vmem>>, %arg3: memref<2000x128xf32, #tpu.memory_space<vmem>>, %arg4: memref<2000x16xf32, #tpu.memory_space<vmem>>, %arg5: memref<2000x16xf32, #tpu.memory_space<vmem>>, %arg6: memref<2000x128xf32, #tpu.memory_space<vmem>>) attributes {dimension_semantics = [#tpu.dimension_semantics<arbitrary>], iteration_bounds = array<i64: 5>, scalar_prefetch = 0 : i64, scratch_operands = 0 : i64, tpu.core_type = #tpu.core_type<tc>, window_params = [{transform_indices = @transform_0, window_bounds = array<i64: 2000, 128>}, {transform_indices = @transform_1, window_bounds = array<i64: 2000, 128>}, {transform_indices = @transform_2, window_bounds = array<i64: 2000, 128>}, {transform_indices = @transform_3, window_bounds = array<i64: 2000, 16>}, {transform_indices = @transform_4, window_bounds = array<i64: 2000, 16>}, {transform_indices = @transform_5, window_bounds = array<i64: 2000, 128>}]} {
    %get3A = arith.constant 0 : index
    %get3A_0 = arith.constant 0 : index
    %get3A_1 = vector.load %arg4[%get3A, %get3A_0] : memref<2000x16xf32, #tpu.memory_space<vmem>>, vector<2000x16xf32>
    %slice3A = vector.extract_strided_slice %get3A_1 {offsets = [0, 0], sizes = [2000, 1], strides = [1, 1]} : vector<2000x16xf32> to vector<2000x1xf32>
    %max3A = arith.constant 1.000000e+00 : f32
    %max3A_2 = vector.broadcast %max3A : f32 to vector<2000x1xf32>
    %max3A_3 = arith.maximumf %slice3A, %max3A_2 : vector<2000x1xf32>
    %div3A = arith.constant 1.000000e+00 : f32
    %div3A_4 = vector.broadcast %div3A : f32 to vector<2000x1xf32>
    %div3A_5 = arith.divf %div3A_4, %max3A_3 : vector<2000x1xf32>
    %get3A_6 = arith.constant 0 : index
    %get3A_7 = arith.constant 0 : index
    %get3A_8 = vector.load %arg5[%get3A_6, %get3A_7] : memref<2000x16xf32, #tpu.memory_space<vmem>>, vector<2000x16xf32>
    %slice3A_9 = vector.extract_strided_slice %get3A_8 {offsets = [0, 0], sizes = [2000, 1], strides = [1, 1]} : vector<2000x16xf32> to vector<2000x1xf32>
    %max3A_10 = arith.constant 1.000000e+00 : f32
    %max3A_11 = vector.broadcast %max3A_10 : f32 to vector<2000x1xf32>
    %max3A_12 = arith.maximumf %slice3A_9, %max3A_11 : vector<2000x1xf32>
    %div3A_13 = arith.constant 1.000000e+00 : f32
    %div3A_14 = vector.broadcast %div3A_13 : f32 to vector<2000x1xf32>
    %div3A_15 = arith.divf %div3A_14, %max3A_12 : vector<2000x1xf32>
    %get3A_16 = arith.constant 0 : index
    %get3A_17 = arith.constant 0 : index
    %get3A_18 = vector.load %arg2[%get3A_16, %get3A_17] : memref<2000x128xf32, #tpu.memory_space<vmem>>, vector<2000x128xf32>
    %mul3A = vector.broadcast %div3A_5 : vector<2000x1xf32> to vector<2000x128xf32>
    %mul3A_19 = arith.mulf %get3A_18, %mul3A : vector<2000x128xf32>
    %get3A_20 = arith.constant 0 : index
    %get3A_21 = arith.constant 0 : index
    %get3A_22 = vector.load %arg3[%get3A_20, %get3A_21] : memref<2000x128xf32, #tpu.memory_space<vmem>>, vector<2000x128xf32>
    %mul3A_23 = vector.broadcast %div3A_15 : vector<2000x1xf32> to vector<2000x128xf32>
    %mul3A_24 = arith.mulf %get3A_22, %mul3A_23 : vector<2000x128xf32>
    %add3A = arith.addf %mul3A_19, %mul3A_24 : vector<2000x128xf32>
    %get3A_25 = arith.constant 0 : index
    %get3A_26 = arith.constant 0 : index
    %get3A_27 = vector.load %arg1[%get3A_25, %get3A_26] : memref<2000x128xf32, #tpu.memory_space<vmem>>, vector<2000x128xf32>
    %add3A_28 = arith.addf %add3A, %get3A_27 : vector<2000x128xf32>
    %max3A_29 = arith.constant 0.000000e+00 : f32
    %max3A_30 = vector.broadcast %max3A_29 : f32 to vector<2000x128xf32>
    %max3A_31 = arith.maximumf %add3A_28, %max3A_30 : vector<2000x128xf32>
    %swap3A = arith.constant 0 : index
    %swap3A_32 = arith.constant 0 : index
    %swap3A_33 = vector.load %arg6[%swap3A, %swap3A_32] : memref<2000x128xf32, #tpu.memory_space<vmem>>, vector<2000x128xf32>
    tpu.vector_store %arg6[%swap3A, %swap3A_32], %max3A_31 {strides = array<i32>} : memref<2000x128xf32, #tpu.memory_space<vmem>>, vector<2000x128xf32>,
    return
  }
  func.func @transform_0(%arg0: i32) -> (i32, i32) {
    %c0_i32 = arith.constant 0 : i32
    %c0_i32_0 = arith.constant 0 : i32
    return %arg0, %c0_i32 : i32, i32
  }
  func.func @transform_1(%arg0: i32) -> (i32, i32) {
    %c0_i32 = arith.constant 0 : i32
    %c0_i32_0 = arith.constant 0 : i32
    return %arg0, %c0_i32 : i32, i32
  }
  func.func @transform_2(%arg0: i32) -> (i32, i32) {
    %c0_i32 = arith.constant 0 : i32
    %c0_i32_0 = arith.constant 0 : i32
    return %arg0, %c0_i32 : i32, i32
  }
  func.func @transform_3(%arg0: i32) -> (i32, i32) {
    %c0_i32 = arith.constant 0 : i32
    %c0_i32_0 = arith.constant 0 : i32
    return %arg0, %c0_i32 : i32, i32
  }
  func.func @transform_4(%arg0: i32) -> (i32, i32) {
    %c0_i32 = arith.constant 0 : i32
    %c0_i32_0 = arith.constant 0 : i32
    return %arg0, %c0_i32 : i32, i32
  }
  func.func @transform_5(%arg0: i32) -> (i32, i32) {
    %c0_i32 = arith.constant 0 : i32
    %c0_i32_0 = arith.constant 0 : i32
    return %arg0, %c0_i32 : i32, i32
  }
}

</mosaic_0001>

<sc_bundles>
// kernel: kernel.5.cloned.1.call-start
scs
__scs_entry_jumppad:
0x0: {  	(pc) =	sbr.rel $0x88, $3  }
0x1: {  	(tag) =	ssettag $0x0;
	lr =	simm.s32 $0x1  }
0x2: {  	[smem:$0x3F98] =	sst lr;
	_ =	strace $0xD0000000  }
0x3: {  	_ = 	snop  }
0x4: {  	_ = 	snop  }
0x5: {  	_ = 	snop  }
0x6: {  	_ = 	snop  }
0x7: {  	_ = 	snop  }
__scs_overlays_trampoline_lowered:
0x8: {  	[smem:$0x3FA7] =	sst s0  }
0x9: {  	[smem:$0x3FA8] =	sst s1  }
0xa: {  	[smem:$0x3FA9] =	sst s2  }
0xb: {  	[smem:$0x3FAA] =	sst s3  }
0xc: {  	[smem:$0x3FAB] =	sst s4  }
0xd: {  	[smem:$0x3FAC] =	sst s5  }
0xe: {  	[smem:$0x3FAD] =	sst s6  }
0xf: {  	[smem:$0x3FAE] =	sst s7  }
0x10: {  	[smem:$0x3FAF] =	sst s8  }
0x11: {  	[smem:$0x3FB0] =	sst s9;
	s0 =	simm.s32 @!p0 $0x0  }
0x12: {  	s1 =	sld [smem:$0x3F96];
	s0 =	simm.s32 @p0 $0x1  }
0x13: {  	[smem:$0x3FB1] =	sst s0;
	s0 =	simm.s32 @!p1 $0x0  }
0x14: {  	s2 =	sld [smem:$0x3F95];
	s0 =	simm.s32 @p1 $0x1  }
0x15: {  	[smem:$0x3FB2] =	sst s0;
	s0 =	simm.s32 @!p2 $0x0  }
0x16: {  	s3 =	sld [smem:$0x3FDB];
	s0 =	simm.s32 @p2 $0x1  }
0x17: {  	s4 =	simm.s32 $0x1BF5;
	[smem:$0x3FB4] =	sst s0  }
0x18: {  	s0 =	sld [smem:$0x3F97];
	_ =	swait.ge [sflag:s4], $0x0  }
0x19: {  	s7 =	sld [smem:$0x3F98]  }
0x1a: {  	s8 =	sadd.s32 $0xFFFFE003, lr  }
0x1b: {  	s9 =	sadd.s32 $0xFFFFFEF7, lr;
	s5 =	simm.s32 $0xFFFFFFFF;
	p2 =	slt.u32 s8, $0xFFFFF086  }
0x1c: {  	p1 =	slt.u32 s9, $0xF7A;
	s5 =	simm.s32 @!p2 $0x0  }
0x1d: {  	s5 =	simm.s32 @p1 $0x1;
	p0 =	seq.s32 s7, s2  }
0x1e: {  	s7 =	smul.u32 @!p0 $0xF7A, s2;
	p2 =	seq.s32 @!p0 s5, $0x0  }
0x1f: {  	s9 =	smul.u32 $0xF7A, s1;
	s8 =	simm.s32 @!p0 $0x1BF5;
	p2 =	por !p2, p0  }
0x20: {  	[sflag:s8] =	ssyncset.s32 @!p0 $0xFFFFF086;
	s6 =	sadd.s32 @!p0 s3, s7;
	s7 =	simm.s32 @!p0 $0x108  }
0x21: {  	s3 =	sadd.s32 s3, s9;
	s6 =	sadd.s32 @!p0 $0x88, s6;
	s7 =	simm.s32 @p2 $0x1082  }
0x22: {  	[simem:s7], [sflag:s8] =	dma.local @!p0 [hbm:s6], $0xF7A  }
0x23: {  	s9 =	sor.u32 $0xD0000000, s2;
	s6 =	simm.s32 $0x108;
	_ =	swait.ge @!p0 [sflag:s8], $0x0  }
0x24: {  	s3 =	sadd.s32 $0x88, s3;
	s6 =	simm.s32 @!p1 $0x1082;
	[sflag:s4] =	ssyncset.s32 $0xFFFFF086  }
0x25: {  	[simem:s6], [sflag:s4] =	dma.local [hbm:s3], $0xF7A  }
0x26: {  	[smem:$0x3F98] =	sst s1;
	(tag) =	ssettag s2;
	_ =	strace s9  }
0x27: {  	s1 =	sld [smem:$0x3FA8]  }
0x28: {  	s2 =	sld [smem:$0x3FA9]  }
0x29: {  	s4 =	sld [smem:$0x3FAB]  }
0x2a: {  	p0 =	seq.s32 s5, $0x0;
	s5 =	sld [smem:$0x3FAC]  }
0x2b: {  	s6 =	sld [smem:$0x3FAD]  }
0x2c: {  	s7 =	sld [smem:$0x3FAE]  }
0x2d: {  	s3 =	simm.s32 $0x108;
	s8 =	sld [smem:$0x3FAF]  }
0x2e: {  	s3 =	simm.s32 @!p0 $0x1082;
	s9 =	sld [smem:$0x3FB0]  }
0x2f: {  	lr =	sadd.s32 s0, s3;
	s0 =	sld [smem:$0x3FA7]  }
0x30: {  	s3 =	sld [smem:$0x3FAA]  }
0x31: {  	[smem:$0x3FB3] =	sst s10  }
0x32: {  	s10 =	sld [smem:$0x3FB1];
	_ =	sdelay $0x3  }
0x33: {  	p0 =	seq.s32 s10, $0x1;
	s10 =	sld [smem:$0x3FB3];
	_ =	sdelay $0x3  }
0x34: {  	[smem:$0x3FB3] =	sst s10  }
0x35: {  	s10 =	sld [smem:$0x3FB2];
	_ =	sdelay $0x3  }
0x36: {  	p1 =	seq.s32 s10, $0x1;
	s10 =	sld [smem:$0x3FB3];
	_ =	sdelay $0x3  }
0x37: {  	[smem:$0x3FB3] =	sst s10  }
0x38: {  	s10 =	sld [smem:$0x3FB4]  }
0x39: {  	_ = 	snop;
	(pc) =	sbr.ind lr, $3  }
0x3a: {  	_ = 	snop  }
0x3b: {  	_ = 	snop  }
0x3c: {  	p2 =	seq.s32 s10, $0x1;
	s10 =	sld [smem:$0x3FB3]  }
0x3d: {  	_ =	shalt  }
0x3e: {  	_ =	shalt  }
0x3f: {  	_ =	shalt  }
0x40: {  	_ =	shalt  }
0x41: {  	_ =	shalt  }
0x42: {  	_ =	shalt  }
0x43: {  	_ =	shalt  }
0x44: {  	_ =	shalt  }
0x45: {  	_ =	shalt  }
0x46: {  	_ =	shalt  }
0x47: {  	_ =	shalt  }
0x48: {  	_ =	shalt  }
0x49: {  	_ =	shalt  }
0x4a: {  	_ =	shalt  }
0x4b: {  	_ =	shalt  }
0x4c: {  	_ =	shalt  }
0x4d: {  	_ =	shalt  }
0x4e: {  	_ =	shalt  }
0x4f: {  	_ =	shalt  }
0x50: {  	_ =	shalt  }
0x51: {  	_ =	shalt  }
0x52: {  	_ =	shalt  }
0x53: {  	_ =	shalt  }
0x54: {  	_ =	shalt  }
0x55: {  	_ =	shalt  }
0x56: {  	_ =	shalt  }
0x57: {  	_ =	shalt  }
0x58: {  	_ =	shalt  }
0x59: {  	_ =	shalt  }
0x5a: {  	_ =	shalt  }
0x5b: {  	_ =	shalt  }
0x5c: {  	_ =	shalt  }
0x5d: {  	_ =	shalt  }
0x5e: {  	_ =	shalt  }
0x5f: {  	_ =	shalt  }
0x60: {  	_ =	shalt  }
0x61: {  	_ =	shalt  }
0x62: {  	_ =	shalt  }
0x63: {  	_ =	shalt  }
0x64: {  	_ =	shalt  }
0x65: {  	_ =	shalt  }
0x66: {  	_ =	shalt  }
0x67: {  	_ =	shalt  }
0x68: {  	_ =	shalt  }
0x69: {  	_ =	shalt  }
0x6a: {  	_ =	shalt  }
0x6b: {  	_ =	shalt  }
0x6c: {  	_ =	shalt  }
0x6d: {  	_ =	shalt  }
0x6e: {  	_ =	shalt  }
0x6f: {  	_ =	shalt  }
0x70: {  	_ =	shalt  }
0x71: {  	_ =	shalt  }
0x72: {  	_ =	shalt  }
0x73: {  	_ =	shalt  }
0x74: {  	_ =	shalt  }
0x75: {  	_ =	shalt  }
0x76: {  	_ =	shalt  }
0x77: {  	_ =	shalt  }
0x78: {  	_ =	shalt  }
0x79: {  	_ =	shalt  }
0x7a: {  	_ =	shalt  }
0x7b: {  	_ =	shalt  }
0x7c: {  	_ =	shalt  }
0x7d: {  	_ =	shalt  }
0x7e: {  	_ =	shalt  }
0x7f: {  	_ =	shalt  }
0x80: {  	_ =	shalt  }
0x81: {  	_ =	shalt  }
0x82: {  	_ =	shalt  }
0x83: {  	_ =	shalt  }
0x84: {  	_ =	shalt  }
0x85: {  	_ =	shalt  }
0x86: {  	_ =	shalt  }
0x87: {  	_ =	shalt  }
.Lfunc_end0:
.L_simem_size_0:
called_computation_lowered:
.L_overlay_start_0:
0x88: {  	s2 =	sld [smem:$0x3FD9]  }
0x89: {  	s3 =	sld [smem:$0x3FFE];
	_ =	sdelay $0x1  }
0x8a: {  	s1 =	srdreg.scid  }
0x8b: {  	s0 =	sand.u32 $0x1, s1  }
0x8c: {  	s17 =	sshll.u32 s0, $0xA;
	s2 =	sadd.s32 s3, s2  }
0x8d: {  	s2 =	sadd.s32 s2, s17  }
0x8e: {  	[smem:$0x3FBF] =	sst s2  }
0x8f: {  	_ = 	snop  }
0x90: {  	s2 =	sld [smem:$0x3FC8]  }
0x91: {  	s18 =	sld [smem:$0x3FC7]  }
0x92: {  	s4 =	sld [smem:$0x3FC6]  }
0x93: {  	s5 =	sld [smem:$0x3FC5]  }
0x94: {  	s6 =	sld [smem:$0x3FD0];
	(tm) =	ssettm $0x1  }
0x95: {  	s7 =	sld [smem:$0x3FFB];
	_ =	sdelay $0x3  }
0x96: {  	_ =	strace s7  }
0x97: {  	s7 =	sld [smem:$0x3FFC];
	_ =	sdelay $0x3  }
0x98: {  	_ =	strace s7  }
0x99: {  	s7 =	sld [smem:$0x3FFD];
	_ =	sdelay $0x3  }
0x9a: {  	_ =	strace s7  }
0x9b: {  	_ =	strace $0x8FFFFFFF  }
0x9c: {  	s19 =	sld [smem:$0x3FDB];
	_ =	sdelay $0x1  }
0x9d: {  	s8 =	simm.s32 $_scs_section_size  }
0x9e: {  	s9 =	simm.s32 $_size__tile_overlayer_lowered;
	s10 =	simm.s32 $_tile_overlayer_lowered  }
0x9f: {  	s22 =	simm.s32 $0x1BFF;
	s21 =	sshll.u32 s10, $0x1;
	s7 =	sadd.s32 s8, s19  }
0xa0: {  	s11 =	simm.s32 $0x0;
	s20 =	sshll.u32 s9, $0x1;
	s9 =	sadd.s32 s21, s7  }
0xa1: {  	[timem:s11], [sflag:s22] =	dma.local [hbm:s9], s20  }
0xa2: {  	_ =	swait.ge [sflag:s22], s20  }
0xa3: {  	s8 =	ssub.s32 $0x0, s20;
	[sflag:s22] =	ssyncset.done $0x0  }
0xa4: {  	[sflag:s22] =	ssyncadd.s32 s8;
	_ =	sdelay $0x1  }
0xa5: {  	s23 =	simm.s32 $0x1B8B  }
0xa6: {  	_ =	swait.ge [sflag:s23], $0x1  }
0xa7: {  	[sflag:s23] =	ssyncset.done $0x0  }
0xa8: {  	s25 =	simm.s32 $0x1B8E;
	s24 =	sld [smem:$0x3FFE];
	[sflag:s23] =	ssyncadd.s32 $0xFFFFFFFF  }
0xa9: {  	s26 =	simm.s32 $execute0_lowered;
	[smem:$0x3FD2] =	sst s25  }
0xaa: {  	s9 =	sshll.u32 s26, $0x1;
	_ =	strace $0x80000046;
	[dreg:$0x1] =	wrdreg $0xFFFFFFFF  }
0xab: {  	s28 =	simm.s32 $_size_execute0_lowered;
	s7 =	sadd.s32 s7, s9;
	[dreg:$0x0] =	wrdreg $0x0  }
0xac: {  	s9 =	sshll.u32 s28, $0x1;
	[dreg:$0x2] =	wrdreg s7  }
0xad: {  	[dreg:$0x3] =	wrdreg s9  }
0xae: {  	[dreg:$0x4] =	wrdreg $0xC0  }
0xaf: {  	_ =	task [dreg:s11], $0x5FFFF  }
0xb0: {  	[dreg:$0x1] =	wrdreg $0xFFFFFFFF  }
0xb1: {  	[dreg:$0x0] =	wrdreg $0x60  }
0xb2: {  	[dreg:$0x2] =	wrdreg s6  }
0xb3: {  	[dreg:$0x3] =	wrdreg s24  }
0xb4: {  	[dreg:$0x4] =	wrdreg s2  }
0xb5: {  	[dreg:$0x5] =	wrdreg s18  }
0xb6: {  	[dreg:$0x6] =	wrdreg s4  }
0xb7: {  	[dreg:$0x7] =	wrdreg s5  }
0xb8: {  	[dreg:$0x8] =	wrdreg $0x7CB00  }
0xb9: {  	[dreg:$0x9] =	wrdreg $0x1BCB00  }
0xba: {  	[dreg:$0xa] =	wrdreg $0x9  }
0xbb: {  	_ =	task.clear_ibuf [dreg:s11], $0xBFFFF;
	_ =	strace $0x90000046  }
0xbc: {  	s29 =	simm.s32 $0x9;
	_ =	strace $0x80000048  }
0xbd: {  	_ =	swait.ge [sflag:s29], $0x1  }
0xbe: {  	[sflag:s29] =	ssyncadd.s32 $0xFFFFFFFF  }
0xbf: {  	_ =	strace $0x90000048  }
0xc0: {  	_ =	sfence  }
0xc1: {  	s30 =	sld [smem:$0x0];
	_ =	sdelay $0x2  }
0xc2: {  	s31 =	sshll.u32 s1, $0xD;
	s1 =	sshrl.u32 s1, $0x2  }
0xc3: {  	s3 =	sand.u32 $0x4000, s31;
	s1 =	sadd.s32 s1, s30  }
0xc4: {  	s0 =	sor.u32 s3, s0;
	s1 =	sshll.u32 s1, $0x11  }
0xc5: {  	s0 =	sor.u32 s1, s0  }
0xc6: {  	s0 =	sadd.s32 $0x8F2B, s0  }
0xc7: {  	[sflag:s0] =	ssyncadd.remote.s32 $0x1  }
0xc8: {  	_ =	sfence.sel $0xFFFF  }
0xc9: {  	[dreg:$0x0] =	wrdreg $0xFFFFFFFF;
	(pc) =	sbr.abs _section_cstart, $3  }
0xca: {  	[dreg:$0x1] =	wrdreg $0xFFFFFFFF  }
0xcb: {  	_ =	task.clear_ibuf [dreg:s11], $0x2FFFF;
	_ =	strace $0x9FFFFFFF  }
0xcc: {  	(tm) =	ssettm $0x7FFFFFFF  }
0xcd: {  	_ =	shalt  }
tec
execute0_lowered:
.L_overlay_start_1:
0x0: {  	(tag) =	ssettag $0x1  }
0x1: {  	s0 =	rddreg [dreg:$0x0]  }
0x2: {  	s1 =	rddreg [dreg:$0x1]  }
0x3: {  	s2 =	rddreg [dreg:$0x2]  }
0x4: {  	s7 =	rddreg [dreg:$0x3]  }
0x5: {  	s8 =	rddreg [dreg:$0x4]  }
0x6: {  	s9 =	rddreg [dreg:$0x5]  }
0x7: {  	s3 =	rddreg [dreg:$0x6]  }
0x8: {  	s4 =	rddreg [dreg:$0x7];
	s16 =	stileid.u32;
	s5 =	simm.s32 $0x0  }
0x9: {  	s24 =	srdreg.scid;
	s28 =	simm.s32 $0x7;
	s29 =	simm.s32 $0x1  }
0xa: {  	s30 =	simm.s32 $0x2;
	s31 =	simm.s32 $0x4;
	s10 =	smul.u32 $0x14000, s16  }
0xb: {  	[smem:$0x7FF] =	sst s5;
	s6 =	sadd.s32 $0x1E00, s1;
	s12 =	sadd.s32 $0x29000, s1  }
0xc: {  	s13 =	sadd.s32 $0x5B200, s1;
	s25 =	smul.u32 $0x2710, s16;
	s14 =	sadd.s32 $0x83200, s1  }
0xd: {  	s19 =	smul.u32 $0x2800, s16;
	_ =	strace $0x80000047;
	[dreg:$0xa] =	wrdreg s12  }
0xe: {  	s26 =	sadd.s32 $0x51200, s1;
	s22 =	smul.u32 $0x4E2, s16;
	[dreg:$0xb] =	wrdreg s13  }
0xf: {  	s16 =	simm.s32 $0x5;
	s12 =	sand.u32 $0x1, s24;
	[dreg:$0xc] =	wrdreg s14  }
0x10: {  	[dreg:$0xd] =	wrdreg s26;
	s11 =	sshrl.u32 s10, $0x3;
	s15 =	ssub.s32 $0x2, s12  }
0x11: {  	s13 =	sshrl.u32 s25, $0x3;
	p0 =	seq.s32 s12, $0x1;
	s18 =	sadd.s32 s10, s3  }
0x12: {  	s26 =	sadd.s32 s22, s9;
	s10 =	simm.s32 $0x2710;
	[dreg:$0x9] =	wrdreg s11  }
0x13: {  	s11 =	sadd.s32 s11, s1;
	s1 =	sadd.s32 $0x56200, s1;
	[dreg:$0x10] =	wrdreg s18  }
0x14: {  	s12 =	simm.s32 $0x3;
	s2 =	sadd.s32 s2, s13;
	[dreg:$0xe] =	wrdreg s1  }
0x15: {  	s17 =	sshrl.u32 s15, $0x1;
	s20 =	sadd.s32 s7, s13;
	[dreg:$0xf] =	wrdreg s2  }
0x16: {  	s21 =	sadd.s32 $0x4CE, s13;
	s8 =	sadd.s32 s8, s13;
	[dreg:$0x11] =	wrdreg s20  }
0x17: {  	s23 =	sadd.s32 s9, s13;
	s13 =	simm.s32 $0x2760;
	[dreg:$0x12] =	wrdreg s8  }
0x18: {  	s1 =	ssub.s32 s15, s17;
	s15 =	sadd.s32 $0x29200, s11;
	[dreg:$0x13] =	wrdreg s23  }
0x19: {  	s24 =	sadd.s32 s7, s21;
	s25 =	sadd.s32 s9, s21;
	s7 =	sadd.s32 s22, s7  }
.Ltmp0:
0x1a: {  	s21 =	sadd.s32 s19, s4;
	s2 =	sshrl.u32 s19, $0x3;
	(pc) =	sbr.rel .LBB2_1-.Ltmp0, $4  }
0x1b: {  	s9 =	simm.s32 $0x27B0;
	s11 =	simm.s32 $0x4FB0;
	[dreg:$0x14] =	wrdreg s24  }
0x1c: {  	s17 =	simm.s32 $0x6;
	s19 =	simm.s32 $0x0;
	[dreg:$0x15] =	wrdreg s25  }
0x1d: {  	[dreg:$0x16] =	wrdreg s2;
	s23 =	smax.u32 s1, $0x1;
	s24 =	sadd.s32 $0x14, s7  }
0x1e: {  	s25 =	sadd.s32 $0x14, s26;
	s26 =	simm.s32 $0x77B0;
	s1 =	simm.s32 $0x50  }
.LBB2_7:
0x1f: {  	s7 =	sadd.s32 $0x2670, s14;
	[sflag:s17] =	ssyncadd.s32 $0xFFFFFB00  }
0x20: {  	[tilespmem:s11], [sflag:$0x2] =	stream.indirect.gather [hbm4b:s6+s1], $0x80, s7, s1, $0xb8;
	[tilespmem:$0x1E4B0] =	vst v63  }
0x21: {  	s22 =	sadd.s32 $0xFFFFFFF6, s8  }
0x22: {  	[tilespmem:s13], [sflag:$0x4] =	stream.linear.gather [hbm4b:s22+s5], $0x50, $0x38;
	[tilespmem:$0x1E4B0] =	vst v63  }
0x23: {  	_ =	swait.ge [sflag:s29], $0x2800  }
0x24: {  	[sflag:s29] =	ssyncset.done $0x0  }
0x25: {  	[sflag:s29] =	ssyncadd.s32 $0xFFFFD800  }
0x26: {  	_ =	swait.ge [sflag:s12], $0x50  }
0x27: {  	[sflag:s12] =	ssyncset.done $0x0  }
0x28: {  	[sflag:s12] =	ssyncadd.s32 $0xFFFFFFB0  }
0x29: {  	[spmem:s4] =	stream.indirect.scatter.add.f32 [tilespmem:s26], [sflag:$0x5], $0x10, s10, s1, $0xb8;
	[tilespmem:$0x1E4B0] =	vst v63  }
0x2a: {  	_ = 	snop  }
0x2b: {  	[spmem:s3] =	stream.indirect.scatter.add.f32 [tilespmem:s9], [sflag:$0x7], $0x80, s10, s1, $0xb8;
	[tilespmem:$0x1E4B0] =	vst v63  }
0x2c: {  	_ =	swait.ge [sflag:s28], $0x2800  }
0x2d: {  	[sflag:s28] =	ssyncset.done $0x0  }
0x2e: {  	[sflag:s28] =	ssyncadd.s32 $0xFFFFD800  }
0x2f: {  	_ =	swait.ge [sflag:s16], $0x500  }
0x30: {  	[sflag:s16] =	ssyncset.done $0x0  }
0x31: {  	s14 =	sadd.s32 $0x26C0, s14;
	[sflag:s16] =	ssyncadd.s32 $0xFFFFFB00  }
0x32: {  	[tilespmem:s9], [sflag:$0x1] =	stream.indirect.gather [hbm4b:s6+s1], $0x80, s14, s1, $0xb8;
	[tilespmem:$0x1E4B0] =	vst v63  }
0x33: {  	_ = 	snop  }
0x34: {  	[tilespmem:s10], [sflag:$0x3] =	stream.linear.gather [hbm4b:s8+s5], $0x50, $0x38;
	[tilespmem:$0x1E4B0] =	vst v63  }
0x35: {  	_ =	swait.ge [sflag:s30], $0x2800  }
0x36: {  	[sflag:s30] =	ssyncset.done $0x0  }
0x37: {  	[sflag:s30] =	ssyncadd.s32 $0xFFFFD800  }
0x38: {  	_ =	swait.ge [sflag:s31], $0x50  }
0x39: {  	[sflag:s31] =	ssyncset.done $0x0  }
0x3a: {  	[sflag:s31] =	ssyncadd.s32 $0xFFFFFFB0  }
0x3b: {  	[spmem:s4] =	stream.indirect.scatter.add.f32 [tilespmem:s26], [sflag:$0x6], $0x10, s13, s1, $0xb8;
	[tilespmem:$0x1E4B0] =	vst v63  }
0x3c: {  	_ = 	snop  }
0x3d: {  	[spmem:s3] =	stream.indirect.scatter.add.f32 [tilespmem:s11], [sflag:$0x7], $0x80, s13, s1, $0xb8;
	[tilespmem:$0x1E4B0] =	vst v63  }
0x3e: {  	_ =	swait.ge [sflag:s28], $0x2800  }
0x3f: {  	[sflag:s28] =	ssyncset.done $0x0  }
0x40: {  	[sflag:s28] =	ssyncadd.s32 $0xFFFFD800  }
0x41: {  	_ =	swait.ge [sflag:s17], $0x500  }
0x42: {  	[sflag:s17] =	ssyncset.done $0x0  }
0x43: {  	s22 =	simm.s32 $0x2670;
	[sflag:s17] =	ssyncadd.s32 $0xFFFFFB00  }
0x44: {  	[tilespmem:s11], [sflag:$0x2] =	stream.indirect.gather [hbm4b:s6+s1], $0x80, s22, s1, $0xb8;
	[tilespmem:$0x1E4B0] =	vst v63  }
0x45: {  	s14 =	rddreg [dreg:$0x15]  }
0x46: {  	[tilespmem:s13], [sflag:$0x4] =	stream.linear.gather [hbm4b:s14+s5], $0x50, $0x38;
	[tilespmem:$0x1E4B0] =	vst v63  }
0x47: {  	_ =	swait.ge [sflag:s29], $0x2800  }
0x48: {  	[sflag:s29] =	ssyncset.done $0x0  }
0x49: {  	[sflag:s29] =	ssyncadd.s32 $0xFFFFD800  }
0x4a: {  	_ =	swait.ge [sflag:s12], $0x50  }
0x4b: {  	[sflag:s12] =	ssyncset.done $0x0  }
0x4c: {  	[sflag:s12] =	ssyncadd.s32 $0xFFFFFFB0  }
0x4d: {  	[spmem:s4] =	stream.indirect.scatter.add.f32 [tilespmem:s26], [sflag:$0x5], $0x10, s10, s1, $0xb8;
	[tilespmem:$0x1E4B0] =	vst v63  }
0x4e: {  	_ = 	snop  }
0x4f: {  	[spmem:s3] =	stream.indirect.scatter.add.f32 [tilespmem:s9], [sflag:$0x7], $0x80, s10, s1, $0xb8;
	[tilespmem:$0x1E4B0] =	vst v63  }
0x50: {  	_ =	swait.ge [sflag:s28], $0x2800  }
0x51: {  	[sflag:s28] =	ssyncset.done $0x0  }
0x52: {  	[sflag:s28] =	ssyncadd.s32 $0xFFFFD800  }
0x53: {  	_ =	swait.ge [sflag:s16], $0x500  }
0x54: {  	s2 =	sshra.s32 s2, $0x2;
	[sflag:s16] =	ssyncset.done $0x0  }
0x55: {  	s2 =	sadd.s32 $0x26C0, s2;
	[sflag:s16] =	ssyncadd.s32 $0xFFFFFB00  }
0x56: {  	[tilespmem:s9], [sflag:$0x1] =	stream.indirect.gather [hbm4b:s6+s1], $0x80, s2, s1, $0xb8;
	[tilespmem:$0x1E4B0] =	vst v63  }
0x57: {  	s22 =	sadd.s32 $0x14, s8  }
0x58: {  	[tilespmem:s10], [sflag:$0x3] =	stream.linear.gather [hbm4b:s22+s5], $0x50, $0x38;
	[tilespmem:$0x1E4B0] =	vst v63  }
0x59: {  	_ =	swait.ge [sflag:s30], $0x2800  }
0x5a: {  	[sflag:s30] =	ssyncset.done $0x0  }
0x5b: {  	[sflag:s30] =	ssyncadd.s32 $0xFFFFD800  }
0x5c: {  	_ =	swait.ge [sflag:s31], $0x50  }
0x5d: {  	[sflag:s31] =	ssyncset.done $0x0  }
0x5e: {  	[sflag:s31] =	ssyncadd.s32 $0xFFFFFFB0  }
0x5f: {  	[spmem:s4] =	stream.indirect.scatter.add.f32 [tilespmem:s26], [sflag:$0x6], $0x10, s13, s1, $0xb8;
	[tilespmem:$0x1E4B0] =	vst v63  }
0x60: {  	_ = 	snop  }
0x61: {  	[spmem:s3] =	stream.indirect.scatter.add.f32 [tilespmem:s11], [sflag:$0x7], $0x80, s13, s1, $0xb8;
	[tilespmem:$0x1E4B0] =	vst v63  }
0x62: {  	_ =	swait.ge [sflag:s28], $0x2800  }
0x63: {  	[sflag:s28] =	ssyncset.done $0x0;
	s7 =	rddreg [dreg:$0xc]  }
0x64: {  	s2 =	rddreg [dreg:$0xe];
	[sflag:s28] =	ssyncadd.s32 $0xFFFFD800  }
.LBB2_8:
0x65: {  	_ =	swait.ge [sflag:s29], $0x2800  }
0x66: {  	[sflag:s29] =	ssyncset.done $0x0  }
0x67: {  	[sflag:s29] =	ssyncadd.s32 $0xFFFFD800  }
0x68: {  	_ =	swait.ge [sflag:s12], $0x50  }
0x69: {  	[sflag:s12] =	ssyncset.done $0x0  }
0x6a: {  	[sflag:s12] =	ssyncadd.s32 $0xFFFFFFB0  }
0x6b: {  	[spmem:s4] =	stream.indirect.scatter.add.f32 [tilespmem:s26], [sflag:$0x5], $0x10, s10, s1, $0xb8;
	[tilespmem:$0x1E4B0] =	vst v63  }
0x6c: {  	_ = 	snop  }
0x6d: {  	[spmem:s3] =	stream.indirect.scatter.add.f32 [tilespmem:s9], [sflag:$0x7], $0x80, s10, s1, $0xb8;
	[tilespmem:$0x1E4B0] =	vst v63  }
0x6e: {  	_ =	swait.ge [sflag:s28], $0x2800  }
0x6f: {  	[sflag:s28] =	ssyncset.done $0x0  }
0x70: {  	[sflag:s28] =	ssyncadd.s32 $0xFFFFD800  }
0x71: {  	_ =	swait.ge [sflag:s16], $0x500  }
0x72: {  	[sflag:s16] =	ssyncset.done $0x0  }
0x73: {  	[sflag:s16] =	ssyncadd.s32 $0xFFFFFB00  }
0x74: {  	_ =	swait.ge [sflag:s17], $0x500  }
0x75: {  	[sflag:s17] =	ssyncset.done $0x0  }
0x76: {  	s8 =	rddreg [dreg:$0x9];
	[sflag:s17] =	ssyncadd.s32 $0xFFFFFB00  }
0x77: {  	s7 =	sadd.s32 s7, s8;
	[bflag:$0x0] =	sbarrier.arrive $0xFFFF  }
0x78: {  	[hbm:s7], [sflag:s20] =	dma.local [spmem:s18], $0x2800  }
0x79: {  	s22 =	sshrl.u32 s21, $0x3;
	s19 =	sadd.s32 $0x1, s19;
	_ =	swait.ge [sflag:s28], $0x2800  }
0x7a: {  	p1 =	sne.s32 s19, s23;
	[sflag:s28] =	ssyncset.done $0x0;
	s18 =	rddreg [dreg:$0x16]  }
.Ltmp1:
0x7b: {  	s2 =	sadd.s32 s2, s18;
	[sflag:s28] =	ssyncadd.s32 $0xFFFFD800;
	(pc) =	sbr.rel @!p1 .LBB2_9-.Ltmp1, $4  }
0x7c: {  	[hbm:s2], [sflag:s20] =	dma.local [spmem:s22], $0x500  }
0x7d: {  	_ =	swait.ge [sflag:s28], $0x500  }
0x7e: {  	[sflag:s28] =	ssyncset.done $0x0  }
0x7f: {  	[sflag:s28] =	ssyncadd.s32 $0xFFFFFB00  }
.LBB2_1:
.Ltmp2:
0x80: {  	(pc) =	sbr.rel @!p0 .LBB2_2-.Ltmp2, $4  }
0x81: {  	_ = 	snop  }
0x82: {  	s2 =	stileid.u32  }
0x83: {  	s7 =	rddreg [dreg:$0x10];
	s2 =	sshll.u32 s2, $0x6  }
0x84: {  	s18 =	sshrl.u32 s7, $0x3;
	s20 =	sor.u32 $0x1C07, s2  }
0x85: {  	s7 =	rddreg [dreg:$0x12]  }
0x86: {  	[tilespmem:s5], [sflag:$0x1] =	stream.linear.gather [hbm4b:s7+s5], $0x2710, $0x38;
	[tilespmem:$0x1E4B0] =	vst v63  }
0x87: {  	s8 =	rddreg [dreg:$0xa];
	s20 =	sor.u32 $0x1C07, s2  }
0x88: {  	[tilespmem:s26], [sflag:$0x2] =	stream.linear.gather [hbm4b:s8+s5], $0x500, $0x38;
	[tilespmem:$0x1E4B0] =	vst v63  }
0x89: {  	[spmem:s18], [sflag:s20] =	dma.local [hbm:s15], $0x2800  }
0x8a: {  	_ =	swait.ge [sflag:s28], $0x2800  }
0x8b: {  	[sflag:s28] =	ssyncset.done $0x0  }
0x8c: {  	s14 =	sshrl.u32 s21, $0x3;
	s22 =	simm.s32 $0x10;
	[sflag:s28] =	ssyncadd.s32 $0xFFFFD800  }
0x8d: {  	[spmem:s14@s30], [sflag:s20] =	dma.strided [hbm:s15@s22], $0x500, s29, $0x2   }
0x8e: {  	_ =	swait.ge [sflag:s28], $0x500  }
0x8f: {  	[sflag:s28] =	ssyncset.done $0x0  }
0x90: {  	[sflag:s28] =	ssyncadd.s32 $0xFFFFFB00  }
0x91: {  	_ =	swait.ge [sflag:s29], $0x2710  }
0x92: {  	[sflag:s29] =	ssyncset.done $0x0  }
0x93: {  	[sflag:s29] =	ssyncadd.s32 $0xFFFFD8F0  }
0x94: {  	_ =	swait.ge [sflag:s30], $0x500  }
0x95: {  	[sflag:s30] =	ssyncset.done $0x0  }
0x96: {  	[sflag:s30] =	ssyncadd.s32 $0xFFFFFB00  }
0x97: {  	[bflag:$0x0] =	sbarrier.arrive $0xFFFF  }
0x98: {  	[tilespmem:s9], [sflag:$0x1] =	stream.indirect.gather [hbm4b:s6+s1], $0x80, s5, s1, $0xb8;
	[tilespmem:$0x1E4B0] =	vst v63  }
0x99: {  	s7 =	rddreg [dreg:$0x13]  }
0x9a: {  	[tilespmem:s10], [sflag:$0x3] =	stream.linear.gather [hbm4b:s7+s5], $0x50, $0x38;
	[tilespmem:$0x1E4B0] =	vst v63  }
0x9b: {  	s8 =	simm.s32 $0x50  }
0x9c: {  	[tilespmem:s11], [sflag:$0x2] =	stream.indirect.gather [hbm4b:s6+s1], $0x80, s8, s1, $0xb8;
	[tilespmem:$0x1E4B0] =	vst v63  }
0x9d: {  	s14 =	sadd.s32 $0xFFFFFFF6, s25  }
0x9e: {  	[tilespmem:s13], [sflag:$0x4] =	stream.linear.gather [hbm4b:s14+s5], $0x50, $0x38;
	[tilespmem:$0x1E4B0] =	vst v63  }
0x9f: {  	_ =	swait.ge [sflag:s29], $0x2800  }
0xa0: {  	[sflag:s29] =	ssyncset.done $0x0  }
0xa1: {  	[sflag:s29] =	ssyncadd.s32 $0xFFFFD800  }
0xa2: {  	_ =	swait.ge [sflag:s12], $0x50  }
0xa3: {  	[sflag:s12] =	ssyncset.done $0x0  }
0xa4: {  	[sflag:s12] =	ssyncadd.s32 $0xFFFFFFB0  }
0xa5: {  	[spmem:s4] =	stream.indirect.scatter.add.f32 [tilespmem:s26], [sflag:$0x5], $0x10, s10, s1, $0xb8;
	[tilespmem:$0x1E4B0] =	vst v63  }
0xa6: {  	_ = 	snop  }
0xa7: {  	[spmem:s3] =	stream.indirect.scatter.add.f32 [tilespmem:s9], [sflag:$0x7], $0x80, s10, s1, $0xb8;
	[tilespmem:$0x1E4B0] =	vst v63  }
0xa8: {  	_ =	swait.ge [sflag:s28], $0x2800  }
0xa9: {  	[sflag:s28] =	ssyncset.done $0x0  }
0xaa: {  	[sflag:s28] =	ssyncadd.s32 $0xFFFFD800  }
0xab: {  	_ =	swait.ge [sflag:s16], $0x500  }
0xac: {  	[sflag:s16] =	ssyncset.done $0x0  }
0xad: {  	s22 =	simm.s32 $0xA0;
	[sflag:s16] =	ssyncadd.s32 $0xFFFFFB00  }
0xae: {  	[tilespmem:s9], [sflag:$0x1] =	stream.indirect.gather [hbm4b:s6+s1], $0x80, s22, s1, $0xb8;
	[tilespmem:$0x1E4B0] =	vst v63  }
0xaf: {  	_ = 	snop  }
0xb0: {  	[tilespmem:s10], [sflag:$0x3] =	stream.linear.gather [hbm4b:s25+s5], $0x50, $0x38;
	[tilespmem:$0x1E4B0] =	vst v63  }
0xb1: {  	_ =	swait.ge [sflag:s30], $0x2800  }
0xb2: {  	[sflag:s30] =	ssyncset.done $0x0  }
0xb3: {  	[sflag:s30] =	ssyncadd.s32 $0xFFFFD800  }
0xb4: {  	_ =	swait.ge [sflag:s31], $0x50  }
0xb5: {  	[sflag:s31] =	ssyncset.done $0x0  }
0xb6: {  	[sflag:s31] =	ssyncadd.s32 $0xFFFFFFB0  }
0xb7: {  	[spmem:s4] =	stream.indirect.scatter.add.f32 [tilespmem:s26], [sflag:$0x6], $0x10, s13, s1, $0xb8;
	[tilespmem:$0x1E4B0] =	vst v63  }
0xb8: {  	_ = 	snop  }
0xb9: {  	[spmem:s3] =	stream.indirect.scatter.add.f32 [tilespmem:s11], [sflag:$0x7], $0x80, s13, s1, $0xb8;
	[tilespmem:$0x1E4B0] =	vst v63  }
0xba: {  	_ =	swait.ge [sflag:s28], $0x2800  }
0xbb: {  	[sflag:s28] =	ssyncset.done $0x0  }
0xbc: {  	[sflag:s28] =	ssyncadd.s32 $0xFFFFD800  }
0xbd: {  	s2 =	simm.s32 $0xFFFF6C80;
	_ =	swait.ge [sflag:s17], $0x500  }
0xbe: {  	s8 =	sadd.s32 $0x14, s25;
	s14 =	simm.s32 $0xFFFFDA80;
	[sflag:s17] =	ssyncset.done $0x0  }
.LBB2_6:
0xbf: {  	s22 =	sadd.s32 $0x2670, s14  }
0xc0: {  	[sflag:s17] =	ssyncadd.s32 $0xFFFFFB00;
	s7 =	smov.u32 s2;
	s2 =	sadd.s32 $0x280, s2  }
0xc1: {  	[tilespmem:s11], [sflag:$0x2] =	stream.indirect.gather [hbm4b:s6+s1], $0x80, s22, s1, $0xb8;
	[tilespmem:$0x1E4B0] =	vst v63  }
0xc2: {  	p1 =	sne.s32 s2, $0x0;
	s22 =	sadd.s32 $0xFFFFFFF6, s8  }
0xc3: {  	[tilespmem:s13], [sflag:$0x4] =	stream.linear.gather [hbm4b:s22+s5], $0x50, $0x38;
	[tilespmem:$0x1E4B0] =	vst v63  }
0xc4: {  	_ =	swait.ge [sflag:s29], $0x2800  }
0xc5: {  	[sflag:s29] =	ssyncset.done $0x0  }
0xc6: {  	[sflag:s29] =	ssyncadd.s32 $0xFFFFD800  }
0xc7: {  	_ =	swait.ge [sflag:s12], $0x50  }
0xc8: {  	[sflag:s12] =	ssyncset.done $0x0  }
0xc9: {  	[sflag:s12] =	ssyncadd.s32 $0xFFFFFFB0  }
0xca: {  	[spmem:s4] =	stream.indirect.scatter.add.f32 [tilespmem:s26], [sflag:$0x5], $0x10, s10, s1, $0xb8;
	[tilespmem:$0x1E4B0] =	vst v63  }
0xcb: {  	_ = 	snop  }
0xcc: {  	[spmem:s3] =	stream.indirect.scatter.add.f32 [tilespmem:s9], [sflag:$0x7], $0x80, s10, s1, $0xb8;
	[tilespmem:$0x1E4B0] =	vst v63  }
0xcd: {  	_ =	swait.ge [sflag:s28], $0x2800  }
0xce: {  	[sflag:s28] =	ssyncset.done $0x0  }
0xcf: {  	[sflag:s28] =	ssyncadd.s32 $0xFFFFD800  }
0xd0: {  	_ =	swait.ge [sflag:s16], $0x500  }
0xd1: {  	[sflag:s16] =	ssyncset.done $0x0  }
0xd2: {  	s14 =	sadd.s32 $0x26C0, s14;
	[sflag:s16] =	ssyncadd.s32 $0xFFFFFB00  }
0xd3: {  	[tilespmem:s9], [sflag:$0x1] =	stream.indirect.gather [hbm4b:s6+s1], $0x80, s14, s1, $0xb8;
	[tilespmem:$0x1E4B0] =	vst v63  }
0xd4: {  	_ = 	snop  }
0xd5: {  	[tilespmem:s10], [sflag:$0x3] =	stream.linear.gather [hbm4b:s8+s5], $0x50, $0x38;
	[tilespmem:$0x1E4B0] =	vst v63  }
0xd6: {  	_ =	swait.ge [sflag:s30], $0x2800  }
0xd7: {  	[sflag:s30] =	ssyncset.done $0x0  }
0xd8: {  	[sflag:s30] =	ssyncadd.s32 $0xFFFFD800  }
0xd9: {  	_ =	swait.ge [sflag:s31], $0x50  }
0xda: {  	[sflag:s31] =	ssyncset.done $0x0  }
0xdb: {  	[sflag:s31] =	ssyncadd.s32 $0xFFFFFFB0  }
0xdc: {  	[spmem:s4] =	stream.indirect.scatter.add.f32 [tilespmem:s26], [sflag:$0x6], $0x10, s13, s1, $0xb8;
	[tilespmem:$0x1E4B0] =	vst v63  }
0xdd: {  	_ = 	snop  }
0xde: {  	[spmem:s3] =	stream.indirect.scatter.add.f32 [tilespmem:s11], [sflag:$0x7], $0x80, s13, s1, $0xb8;
	[tilespmem:$0x1E4B0] =	vst v63  }
.Ltmp3:
0xdf: {  	_ =	swait.ge [sflag:s28], $0x2800;
	(pc) =	sbr.rel @p1 .LBB2_6-.Ltmp3, $4  }
0xe0: {  	[sflag:s28] =	ssyncset.done $0x0  }
0xe1: {  	[sflag:s28] =	ssyncadd.s32 $0xFFFFD800  }
0xe2: {  	_ =	swait.ge [sflag:s17], $0x500  }
0xe3: {  	s14 =	sshra.s32 s7, $0x2;
	s8 =	sadd.s32 $0x14, s8;
	[sflag:s17] =	ssyncset.done $0x0  }
.Ltmp4:
0xe4: {  	_ = 	snop;
	(pc) =	sbr.rel .LBB2_7-.Ltmp4, $1  }
0xe5: {  	_ =	sdelay $0x3  }
.LBB2_2:
0xe6: {  	s2 =	rddreg [dreg:$0xf]  }
0xe7: {  	[tilespmem:s5], [sflag:$0x1] =	stream.linear.gather [hbm4b:s2+s5], $0x2710, $0x38;
	[tilespmem:$0x1E4B0] =	vst v63  }
0xe8: {  	s14 =	rddreg [dreg:$0xa]  }
0xe9: {  	[tilespmem:s26], [sflag:$0x2] =	stream.linear.gather [hbm4b:s14+s5], $0x500, $0x38;
	[tilespmem:$0x1E4B0] =	vst v63  }
0xea: {  	[spmem:s18], [sflag:s20] =	dma.local [hbm:s15], $0x2800  }
0xeb: {  	_ =	swait.ge [sflag:s28], $0x2800  }
0xec: {  	[sflag:s28] =	ssyncset.done $0x0  }
0xed: {  	s22 =	sshrl.u32 s21, $0x3;
	s7 =	simm.s32 $0x10;
	[sflag:s28] =	ssyncadd.s32 $0xFFFFD800  }
0xee: {  	[spmem:s22@s30], [sflag:s20] =	dma.strided [hbm:s15@s7], $0x500, s29, $0x2   }
0xef: {  	_ =	swait.ge [sflag:s28], $0x500  }
0xf0: {  	[sflag:s28] =	ssyncset.done $0x0  }
0xf1: {  	[sflag:s28] =	ssyncadd.s32 $0xFFFFFB00  }
0xf2: {  	_ =	swait.ge [sflag:s29], $0x2710  }
0xf3: {  	[sflag:s29] =	ssyncset.done $0x0  }
0xf4: {  	[sflag:s29] =	ssyncadd.s32 $0xFFFFD8F0  }
0xf5: {  	_ =	swait.ge [sflag:s30], $0x500  }
0xf6: {  	[sflag:s30] =	ssyncset.done $0x0  }
0xf7: {  	[sflag:s30] =	ssyncadd.s32 $0xFFFFFB00  }
0xf8: {  	[bflag:$0x0] =	sbarrier.arrive $0xFFFF  }
0xf9: {  	[tilespmem:s9], [sflag:$0x1] =	stream.indirect.gather [hbm4b:s0+s1], $0x80, s5, s1, $0xb8;
	[tilespmem:$0x1E4B0] =	vst v63  }
0xfa: {  	s7 =	rddreg [dreg:$0x11]  }
0xfb: {  	[tilespmem:s10], [sflag:$0x3] =	stream.linear.gather [hbm4b:s7+s5], $0x50, $0x38;
	[tilespmem:$0x1E4B0] =	vst v63  }
0xfc: {  	s8 =	simm.s32 $0x50  }
0xfd: {  	[tilespmem:s11], [sflag:$0x2] =	stream.indirect.gather [hbm4b:s0+s1], $0x80, s8, s1, $0xb8;
	[tilespmem:$0x1E4B0] =	vst v63  }
0xfe: {  	s14 =	sadd.s32 $0xFFFFFFF6, s24  }
0xff: {  	[tilespmem:s13], [sflag:$0x4] =	stream.linear.gather [hbm4b:s14+s5], $0x50, $0x38;
	[tilespmem:$0x1E4B0] =	vst v63  }
0x100: {  	_ =	swait.ge [sflag:s29], $0x2800  }
0x101: {  	[sflag:s29] =	ssyncset.done $0x0  }
0x102: {  	[sflag:s29] =	ssyncadd.s32 $0xFFFFD800  }
0x103: {  	_ =	swait.ge [sflag:s12], $0x50  }
0x104: {  	[sflag:s12] =	ssyncset.done $0x0  }
0x105: {  	[sflag:s12] =	ssyncadd.s32 $0xFFFFFFB0  }
0x106: {  	[spmem:s4] =	stream.indirect.scatter.add.f32 [tilespmem:s26], [sflag:$0x5], $0x10, s10, s1, $0xb8;
	[tilespmem:$0x1E4B0] =	vst v63  }
0x107: {  	_ = 	snop  }
0x108: {  	[spmem:s3] =	stream.indirect.scatter.add.f32 [tilespmem:s9], [sflag:$0x7], $0x80, s10, s1, $0xb8;
	[tilespmem:$0x1E4B0] =	vst v63  }
0x109: {  	_ =	swait.ge [sflag:s28], $0x2800  }
0x10a: {  	[sflag:s28] =	ssyncset.done $0x0  }
0x10b: {  	[sflag:s28] =	ssyncadd.s32 $0xFFFFD800  }
0x10c: {  	_ =	swait.ge [sflag:s16], $0x500  }
0x10d: {  	[sflag:s16] =	ssyncset.done $0x0  }
0x10e: {  	s22 =	simm.s32 $0xA0;
	[sflag:s16] =	ssyncadd.s32 $0xFFFFFB00  }
0x10f: {  	[tilespmem:s9], [sflag:$0x1] =	stream.indirect.gather [hbm4b:s0+s1], $0x80, s22, s1, $0xb8;
	[tilespmem:$0x1E4B0] =	vst v63  }
0x110: {  	_ = 	snop  }
0x111: {  	[tilespmem:s10], [sflag:$0x3] =	stream.linear.gather [hbm4b:s24+s5], $0x50, $0x38;
	[tilespmem:$0x1E4B0] =	vst v63  }
0x112: {  	_ =	swait.ge [sflag:s30], $0x2800  }
0x113: {  	[sflag:s30] =	ssyncset.done $0x0  }
0x114: {  	[sflag:s30] =	ssyncadd.s32 $0xFFFFD800  }
0x115: {  	_ =	swait.ge [sflag:s31], $0x50  }
0x116: {  	[sflag:s31] =	ssyncset.done $0x0  }
0x117: {  	[sflag:s31] =	ssyncadd.s32 $0xFFFFFFB0  }
0x118: {  	[spmem:s4] =	stream.indirect.scatter.add.f32 [tilespmem:s26], [sflag:$0x6], $0x10, s13, s1, $0xb8;
	[tilespmem:$0x1E4B0] =	vst v63  }
0x119: {  	_ = 	snop  }
0x11a: {  	[spmem:s3] =	stream.indirect.scatter.add.f32 [tilespmem:s11], [sflag:$0x7], $0x80, s13, s1, $0xb8;
	[tilespmem:$0x1E4B0] =	vst v63  }
0x11b: {  	_ =	swait.ge [sflag:s28], $0x2800  }
0x11c: {  	[sflag:s28] =	ssyncset.done $0x0  }
0x11d: {  	[sflag:s28] =	ssyncadd.s32 $0xFFFFD800  }
0x11e: {  	s2 =	simm.s32 $0xFFFF6C80;
	_ =	swait.ge [sflag:s17], $0x500  }
0x11f: {  	s8 =	sadd.s32 $0x14, s24;
	s14 =	simm.s32 $0xFFFFDA80;
	[sflag:s17] =	ssyncset.done $0x0  }
.LBB2_3:
0x120: {  	s22 =	sadd.s32 $0x2670, s14  }
0x121: {  	[sflag:s17] =	ssyncadd.s32 $0xFFFFFB00;
	s7 =	smov.u32 s2;
	s2 =	sadd.s32 $0x280, s2  }
0x122: {  	[tilespmem:s11], [sflag:$0x2] =	stream.indirect.gather [hbm4b:s0+s1], $0x80, s22, s1, $0xb8;
	[tilespmem:$0x1E4B0] =	vst v63  }
0x123: {  	p1 =	seq.s32 s2, $0x0;
	s22 =	sadd.s32 $0xFFFFFFF6, s8  }
0x124: {  	[tilespmem:s13], [sflag:$0x4] =	stream.linear.gather [hbm4b:s22+s5], $0x50, $0x38;
	[tilespmem:$0x1E4B0] =	vst v63  }
0x125: {  	_ =	swait.ge [sflag:s29], $0x2800  }
0x126: {  	[sflag:s29] =	ssyncset.done $0x0  }
0x127: {  	[sflag:s29] =	ssyncadd.s32 $0xFFFFD800  }
0x128: {  	_ =	swait.ge [sflag:s12], $0x50  }
0x129: {  	[sflag:s12] =	ssyncset.done $0x0  }
0x12a: {  	[sflag:s12] =	ssyncadd.s32 $0xFFFFFFB0  }
0x12b: {  	[spmem:s4] =	stream.indirect.scatter.add.f32 [tilespmem:s26], [sflag:$0x5], $0x10, s10, s1, $0xb8;
	[tilespmem:$0x1E4B0] =	vst v63  }
0x12c: {  	_ = 	snop  }
0x12d: {  	[spmem:s3] =	stream.indirect.scatter.add.f32 [tilespmem:s9], [sflag:$0x7], $0x80, s10, s1, $0xb8;
	[tilespmem:$0x1E4B0] =	vst v63  }
0x12e: {  	_ =	swait.ge [sflag:s28], $0x2800  }
0x12f: {  	[sflag:s28] =	ssyncset.done $0x0  }
0x130: {  	[sflag:s28] =	ssyncadd.s32 $0xFFFFD800  }
0x131: {  	_ =	swait.ge [sflag:s16], $0x500  }
0x132: {  	[sflag:s16] =	ssyncset.done $0x0  }
0x133: {  	s14 =	sadd.s32 $0x26C0, s14;
	[sflag:s16] =	ssyncadd.s32 $0xFFFFFB00  }
0x134: {  	[tilespmem:s9], [sflag:$0x1] =	stream.indirect.gather [hbm4b:s0+s1], $0x80, s14, s1, $0xb8;
	[tilespmem:$0x1E4B0] =	vst v63  }
0x135: {  	_ = 	snop  }
0x136: {  	[tilespmem:s10], [sflag:$0x3] =	stream.linear.gather [hbm4b:s8+s5], $0x50, $0x38;
	[tilespmem:$0x1E4B0] =	vst v63  }
0x137: {  	_ =	swait.ge [sflag:s30], $0x2800  }
0x138: {  	[sflag:s30] =	ssyncset.done $0x0  }
0x139: {  	[sflag:s30] =	ssyncadd.s32 $0xFFFFD800  }
0x13a: {  	_ =	swait.ge [sflag:s31], $0x50  }
0x13b: {  	[sflag:s31] =	ssyncset.done $0x0  }
0x13c: {  	[sflag:s31] =	ssyncadd.s32 $0xFFFFFFB0  }
0x13d: {  	[spmem:s4] =	stream.indirect.scatter.add.f32 [tilespmem:s26], [sflag:$0x6], $0x10, s13, s1, $0xb8;
	[tilespmem:$0x1E4B0] =	vst v63  }
0x13e: {  	_ = 	snop  }
0x13f: {  	[spmem:s3] =	stream.indirect.scatter.add.f32 [tilespmem:s11], [sflag:$0x7], $0x80, s13, s1, $0xb8;
	[tilespmem:$0x1E4B0] =	vst v63  }
.Ltmp5:
0x140: {  	_ =	swait.ge [sflag:s28], $0x2800;
	(pc) =	sbr.rel @!p1 .LBB2_3-.Ltmp5, $4  }
0x141: {  	[sflag:s28] =	ssyncset.done $0x0  }
0x142: {  	[sflag:s28] =	ssyncadd.s32 $0xFFFFD800  }
0x143: {  	_ =	swait.ge [sflag:s17], $0x500  }
0x144: {  	s14 =	sshra.s32 s7, $0x2;
	s8 =	sadd.s32 $0x14, s8;
	[sflag:s17] =	ssyncset.done $0x0  }
0x145: {  	s7 =	sadd.s32 $0x2670, s14;
	[sflag:s17] =	ssyncadd.s32 $0xFFFFFB00  }
0x146: {  	[tilespmem:s11], [sflag:$0x2] =	stream.indirect.gather [hbm4b:s0+s1], $0x80, s7, s1, $0xb8;
	[tilespmem:$0x1E4B0] =	vst v63  }
0x147: {  	s22 =	sadd.s32 $0xFFFFFFF6, s8  }
0x148: {  	[tilespmem:s13], [sflag:$0x4] =	stream.linear.gather [hbm4b:s22+s5], $0x50, $0x38;
	[tilespmem:$0x1E4B0] =	vst v63  }
0x149: {  	_ =	swait.ge [sflag:s29], $0x2800  }
0x14a: {  	[sflag:s29] =	ssyncset.done $0x0  }
0x14b: {  	[sflag:s29] =	ssyncadd.s32 $0xFFFFD800  }
0x14c: {  	_ =	swait.ge [sflag:s12], $0x50  }
0x14d: {  	[sflag:s12] =	ssyncset.done $0x0  }
0x14e: {  	[sflag:s12] =	ssyncadd.s32 $0xFFFFFFB0  }
0x14f: {  	[spmem:s4] =	stream.indirect.scatter.add.f32 [tilespmem:s26], [sflag:$0x5], $0x10, s10, s1, $0xb8;
	[tilespmem:$0x1E4B0] =	vst v63  }
0x150: {  	_ = 	snop  }
0x151: {  	[spmem:s3] =	stream.indirect.scatter.add.f32 [tilespmem:s9], [sflag:$0x7], $0x80, s10, s1, $0xb8;
	[tilespmem:$0x1E4B0] =	vst v63  }
0x152: {  	_ =	swait.ge [sflag:s28], $0x2800  }
0x153: {  	[sflag:s28] =	ssyncset.done $0x0  }
0x154: {  	[sflag:s28] =	ssyncadd.s32 $0xFFFFD800  }
0x155: {  	_ =	swait.ge [sflag:s16], $0x500  }
0x156: {  	[sflag:s16] =	ssyncset.done $0x0  }
0x157: {  	s22 =	sadd.s32 $0x26C0, s14;
	[sflag:s16] =	ssyncadd.s32 $0xFFFFFB00  }
0x158: {  	[tilespmem:s9], [sflag:$0x1] =	stream.indirect.gather [hbm4b:s0+s1], $0x80, s22, s1, $0xb8;
	[tilespmem:$0x1E4B0] =	vst v63  }
0x159: {  	_ = 	snop  }
0x15a: {  	[tilespmem:s10], [sflag:$0x3] =	stream.linear.gather [hbm4b:s8+s5], $0x50, $0x38;
	[tilespmem:$0x1E4B0] =	vst v63  }
0x15b: {  	_ =	swait.ge [sflag:s30], $0x2800  }
0x15c: {  	[sflag:s30] =	ssyncset.done $0x0  }
0x15d: {  	[sflag:s30] =	ssyncadd.s32 $0xFFFFD800  }
0x15e: {  	_ =	swait.ge [sflag:s31], $0x50  }
0x15f: {  	[sflag:s31] =	ssyncset.done $0x0  }
0x160: {  	[sflag:s31] =	ssyncadd.s32 $0xFFFFFFB0  }
0x161: {  	[spmem:s4] =	stream.indirect.scatter.add.f32 [tilespmem:s26], [sflag:$0x6], $0x10, s13, s1, $0xb8;
	[tilespmem:$0x1E4B0] =	vst v63  }
0x162: {  	_ = 	snop  }
0x163: {  	[spmem:s3] =	stream.indirect.scatter.add.f32 [tilespmem:s11], [sflag:$0x7], $0x80, s13, s1, $0xb8;
	[tilespmem:$0x1E4B0] =	vst v63  }
0x164: {  	_ =	swait.ge [sflag:s28], $0x2800  }
0x165: {  	[sflag:s28] =	ssyncset.done $0x0  }
0x166: {  	[sflag:s28] =	ssyncadd.s32 $0xFFFFD800  }
0x167: {  	_ =	swait.ge [sflag:s17], $0x500  }
0x168: {  	[sflag:s17] =	ssyncset.done $0x0  }
0x169: {  	s14 =	simm.s32 $0x2670;
	[sflag:s17] =	ssyncadd.s32 $0xFFFFFB00  }
0x16a: {  	[tilespmem:s11], [sflag:$0x2] =	stream.indirect.gather [hbm4b:s0+s1], $0x80, s14, s1, $0xb8;
	[tilespmem:$0x1E4B0] =	vst v63  }
0x16b: {  	s22 =	rddreg [dreg:$0x14]  }
0x16c: {  	[tilespmem:s13], [sflag:$0x4] =	stream.linear.gather [hbm4b:s22+s5], $0x50, $0x38;
	[tilespmem:$0x1E4B0] =	vst v63  }
0x16d: {  	_ =	swait.ge [sflag:s29], $0x2800  }
0x16e: {  	[sflag:s29] =	ssyncset.done $0x0  }
0x16f: {  	[sflag:s29] =	ssyncadd.s32 $0xFFFFD800  }
0x170: {  	_ =	swait.ge [sflag:s12], $0x50  }
0x171: {  	[sflag:s12] =	ssyncset.done $0x0  }
0x172: {  	[sflag:s12] =	ssyncadd.s32 $0xFFFFFFB0  }
0x173: {  	[spmem:s4] =	stream.indirect.scatter.add.f32 [tilespmem:s26], [sflag:$0x5], $0x10, s10, s1, $0xb8;
	[tilespmem:$0x1E4B0] =	vst v63  }
0x174: {  	_ = 	snop  }
0x175: {  	[spmem:s3] =	stream.indirect.scatter.add.f32 [tilespmem:s9], [sflag:$0x7], $0x80, s10, s1, $0xb8;
	[tilespmem:$0x1E4B0] =	vst v63  }
0x176: {  	_ =	swait.ge [sflag:s28], $0x2800  }
0x177: {  	[sflag:s28] =	ssyncset.done $0x0  }
0x178: {  	[sflag:s28] =	ssyncadd.s32 $0xFFFFD800  }
0x179: {  	_ =	swait.ge [sflag:s16], $0x500  }
0x17a: {  	s2 =	sshra.s32 s2, $0x2;
	[sflag:s16] =	ssyncset.done $0x0  }
0x17b: {  	s2 =	sadd.s32 $0x26C0, s2;
	[sflag:s16] =	ssyncadd.s32 $0xFFFFFB00  }
0x17c: {  	[tilespmem:s9], [sflag:$0x1] =	stream.indirect.gather [hbm4b:s0+s1], $0x80, s2, s1, $0xb8;
	[tilespmem:$0x1E4B0] =	vst v63  }
0x17d: {  	s7 =	sadd.s32 $0x14, s8  }
0x17e: {  	[tilespmem:s10], [sflag:$0x3] =	stream.linear.gather [hbm4b:s7+s5], $0x50, $0x38;
	[tilespmem:$0x1E4B0] =	vst v63  }
0x17f: {  	_ =	swait.ge [sflag:s30], $0x2800  }
0x180: {  	[sflag:s30] =	ssyncset.done $0x0  }
0x181: {  	[sflag:s30] =	ssyncadd.s32 $0xFFFFD800  }
0x182: {  	_ =	swait.ge [sflag:s31], $0x50  }
0x183: {  	[sflag:s31] =	ssyncset.done $0x0  }
0x184: {  	[sflag:s31] =	ssyncadd.s32 $0xFFFFFFB0  }
0x185: {  	[spmem:s4] =	stream.indirect.scatter.add.f32 [tilespmem:s26], [sflag:$0x6], $0x10, s13, s1, $0xb8;
	[tilespmem:$0x1E4B0] =	vst v63  }
.Ltmp6:
0x186: {  	_ = 	snop;
	(pc) =	sbr.rel .LBB2_8-.Ltmp6, $4  }
0x187: {  	[spmem:s3] =	stream.indirect.scatter.add.f32 [tilespmem:s11], [sflag:$0x7], $0x80, s13, s1, $0xb8;
	[tilespmem:$0x1E4B0] =	vst v63  }
0x188: {  	_ =	swait.ge [sflag:s28], $0x2800  }
0x189: {  	[sflag:s28] =	ssyncset.done $0x0;
	s7 =	rddreg [dreg:$0xb]  }
0x18a: {  	s2 =	rddreg [dreg:$0xd];
	[sflag:s28] =	ssyncadd.s32 $0xFFFFD800  }
.LBB2_9:
0x18b: {  	_ =	sfence.sel $0x180000  }
0x18c: {  	[bflag:$0x0] =	sbarrier.arrive $0xFFFF  }
0x18d: {  	_ =	strace $0x90000047  }
0x18e: {  	s0 =	stileid.u32;
	[bflag:$0x2] =	sbarrier.arrive $0xFFFF  }
0x18f: {  	p0 =	sne.s32 s0, $0x0;
	s0 =	rddreg [dreg:$0x8]  }
0x190: {  	s0 =	sadd.s32 @!p0 $0x100000, s0  }
0x191: {  	[sflag:s0] =	ssyncadd.tile.s32 @!p0 $0x1;
	_ =	shalt  }
.Lfunc_end2:
_tile_overlayer_lowered:
.L_overlay_start_2:
0x192: {  	(tag) =	ssettag $0x2  }
0x193: {  	s0 =	rddreg [dreg:$0x0];
	s2 =	stileid.u32  }
0x194: {  	s1 =	rddreg [dreg:$0x1];
	p0 =	sne.s32 s2, $0x0  }
0x195: {  	s3 =	rddreg [dreg:$0x2];
	[bflag:$0x3] =	sbarrier.arrive $0xFFFF;
	s2 =	simm.s32 @!p0 $0x1C07  }
0x196: {  	[timem:s3], [sflag:s2] =	dma.local @!p0 [hbm:s0], s1  }
0x197: {  	s0 =	simm.s32 @!p0 $0x7  }
0x198: {  	_ =	swait.ge @!p0 [sflag:s0], s1  }
0x199: {  	s1 =	ssub.s32 @!p0 $0x0, s1;
	[sflag:s0] =	ssyncset.done @!p0 $0x0  }
0x19a: {  	[sflag:s0] =	ssyncadd.s32 @!p0 s1  }
0x19b: {  	[bflag:$0x3] =	sbarrier.arrive $0xFFFF  }
0x19c: {  	_ =	shalt  }

</sc_bundles>
